<compile_context>
chip_gen: v7x
topology: tpu7x:2x2x1
jax: 0.10.2.dev20260603
libtpu: 0.0.44.dev20260713+nightly
codegen_flags: <defaults>
</compile_context>

<pallas_src>
import functools

import jax
import jax.numpy as jnp
from jax import lax
from jax.experimental import pallas as pl
from jax.experimental.pallas import tpu as pltpu
from jax.experimental.pallas import tpu_sc as plsc

E = 64
D = 768
H = 128
C = 128
B = 2048
LN_EPS = 1e-5
RB = 128
NB = B // RB
T = NB + E
RBR = 256
NC, NS = 2, 16
NW = NC * NS
NTOK = B // NW

_F32 = jnp.float32
_PREC = lax.Precision.DEFAULT
_SC_PARAMS = pltpu.CompilerParams(needs_layout_passes=False)


def _gelu(v):
    return 0.5 * v * (1.0 + lax.erf(v * 0.7071067811865476))


def _iota16():
    return lax.broadcasted_iota(jnp.int32, (16,), 0)


def _router_body(x_ref, Wr_ref, br_ref, eid_ref, xhat_ref):
    logits = lax.dot_general(x_ref[...], Wr_ref[...], (((1,), (1,)), ((), ())),
                             precision=_PREC, preferred_element_type=_F32)
    logits = logits + br_ref[...]
    eid_ref[...] = jnp.argmax(logits, axis=1).astype(jnp.int32)
    xv = x_ref[...]
    mu = jnp.mean(xv, axis=1, keepdims=True)
    var = jnp.mean((xv - mu) ** 2, axis=1, keepdims=True)
    xhat_ref[...] = (xv - mu) * lax.rsqrt(var + LN_EPS)


def _router(x, Wr, br):
    return pl.pallas_call(
        _router_body,
        grid=(B // RBR,),
        in_specs=[
            pl.BlockSpec((RBR, D), lambda i: (i, 0)),
            pl.BlockSpec((E, D), lambda i: (0, 0)),
            pl.BlockSpec((1, E), lambda i: (0, 0)),
        ],
        out_specs=[pl.BlockSpec((RBR,), lambda i: (i,)),
                   pl.BlockSpec((RBR, D), lambda i: (i, 0))],
        out_shape=[jax.ShapeDtypeStruct((B,), jnp.int32),
                   jax.ShapeDtypeStruct((B, D), _F32)],
    )(x, Wr, br.reshape(1, E))


def _sc_hist_body(eid_hbm, hists_hbm, ranks_hbm, eidv, hist, rank):
    w = lax.axis_index("s") * NC + lax.axis_index("c")
    base = w * NTOK
    pltpu.sync_copy(eid_hbm.at[pl.ds(base, NTOK)], eidv)
    z16 = jnp.zeros((16,), jnp.int32)
    for k in range(E // 16):
        hist[pl.ds(16 * k, 16)] = z16

    lane0 = _iota16() == 0

    def body(i, carry):
        e16 = plsc.load_gather(eidv, [jnp.full((16,), i, jnp.int32)])
        r16 = plsc.load_gather(hist, [e16])
        plsc.store_scatter(rank, [jnp.full((16,), i, jnp.int32)], r16,
                           mask=lane0)
        plsc.store_scatter(hist, [e16], r16 + 1, mask=lane0)
        return carry

    lax.fori_loop(0, NTOK, body, 0)
    pltpu.sync_copy(hist, hists_hbm.at[w])
    pltpu.sync_copy(rank, ranks_hbm.at[pl.ds(base, NTOK)])


def _sc_scatter_body(xhat_hbm, eid_hbm, hists_hbm, ranks_hbm,
                     xs_hbm, invperm_hbm, meta_hbm,
                     allc, eidv, rankv, destv, basev, cnts,
                     lob_v, tbase_v, es_arr, meta_v, xrows, sem):
    w = lax.axis_index("s") * NC + lax.axis_index("c")
    base = w * NTOK
    xfetch = pltpu.async_copy(xhat_hbm.at[pl.ds(base, NTOK)], xrows, sem)
    pltpu.sync_copy(hists_hbm, allc)
    pltpu.sync_copy(eid_hbm.at[pl.ds(base, NTOK)], eidv)
    pltpu.sync_copy(ranks_hbm.at[pl.ds(base, NTOK)], rankv)

    carry = jnp.int32(0)
    for k in range(E // 16):
        z16 = jnp.zeros((16,), jnp.int32)

        def wbody(w2, tm):
            tot, mine = tm
            row = allc[w2, pl.ds(16 * k, 16)]
            tot = tot + row
            mine = mine + jnp.where(w2 < w, row, 0)
            return (tot, mine)

        tot, mine = lax.fori_loop(0, NW, wbody, (z16, z16))
        cs = plsc.cumsum(tot)
        basev[pl.ds(16 * k, 16)] = cs - tot + carry + mine
        cnts[pl.ds(16 * k, 16)] = tot
        carry = carry + jnp.sum(tot)

    for k in range(NTOK // 16):
        ev = eidv[pl.ds(16 * k, 16)]
        bg = plsc.load_gather(basev, [ev])
        destv[pl.ds(16 * k, 16)] = bg + rankv[pl.ds(16 * k, 16)]

    pltpu.sync_copy(destv, invperm_hbm.at[pl.ds(base, NTOK)])

    @pl.when(w == 0)
    def _pair_schedule():
        z16 = jnp.zeros((16,), jnp.int32)
        for k in range(T // 16):
            es_arr[pl.ds(16 * k, 16)] = z16
        tcar = jnp.int32(0)
        for k in range(E // 16):
            off = basev[pl.ds(16 * k, 16)]
            cnt = cnts[pl.ds(16 * k, 16)]
            lob = lax.div(off, RB)
            hib = lax.div(off + cnt - 1, RB)
            nb = jnp.where(cnt > 0, hib - lob + 1, 0)
            cs = plsc.cumsum(nb)
            tb = cs - nb + tcar
            tcar = tcar + jnp.sum(nb)
            lob_v[pl.ds(16 * k, 16)] = lob
            tbase_v[pl.ds(16 * k, 16)] = tb
            plsc.store_scatter(es_arr, [tb], _iota16() + 16 * k,
                               mask=cnt > 0)
        mcar = jnp.int32(0)
        for k in range(T // 16):
            ev = es_arr[pl.ds(16 * k, 16)]
            es = jnp.maximum(plsc.cummax(ev), mcar)
            mcar = jnp.max(es)
            tv = _iota16() + 16 * k
            lobk = plsc.load_gather(lob_v, [es])
            tbk = plsc.load_gather(tbase_v, [es])
            offk = plsc.load_gather(basev, [es])
            cntk = plsc.load_gather(cnts, [es])
            rb = lobk + (tv - tbk)
            lo = jnp.maximum(offk, rb * RB)
            hi = jnp.minimum(offk + cntk, rb * RB + RB)
            validv = tv < tcar
            rb = jnp.where(validv, rb, NB - 1)
            lo = jnp.where(validv, lo, 0)
            hi = jnp.where(validv, hi, 0)
            fr = jnp.where(lo == rb * RB, 1, 0)
            meta_v[0, pl.ds(16 * k, 16)] = rb
            meta_v[1, pl.ds(16 * k, 16)] = jnp.where(validv, es, 0)
            meta_v[2, pl.ds(16 * k, 16)] = lo
            meta_v[3, pl.ds(16 * k, 16)] = hi
            meta_v[4, pl.ds(16 * k, 16)] = fr
        pltpu.sync_copy(meta_v, meta_hbm)

    xfetch.wait()
    pltpu.async_copy(xrows, xs_hbm.at[destv], sem).wait()


def _sc_dispatch(xhat, eid):
    mesh = plsc.VectorSubcoreMesh(core_axis_name="c", subcore_axis_name="s")
    hists, ranks = pl.kernel(
        _sc_hist_body,
        out_type=[jax.ShapeDtypeStruct((NW, E), jnp.int32),
                  jax.ShapeDtypeStruct((B,), jnp.int32)],
        mesh=mesh,
        compiler_params=_SC_PARAMS,
        scratch_types=[pltpu.VMEM((NTOK,), jnp.int32),
                       pltpu.VMEM((E,), jnp.int32),
                       pltpu.VMEM((NTOK,), jnp.int32)],
    )(eid)
    outs = pl.kernel(
        _sc_scatter_body,
        out_type=[jax.ShapeDtypeStruct((B, D), _F32),
                  jax.ShapeDtypeStruct((B,), jnp.int32),
                  jax.ShapeDtypeStruct((5, T), jnp.int32)],
        mesh=mesh,
        compiler_params=_SC_PARAMS,
        scratch_types=[pltpu.VMEM((NW, E), jnp.int32),
                       pltpu.VMEM((NTOK,), jnp.int32),
                       pltpu.VMEM((NTOK,), jnp.int32),
                       pltpu.VMEM((NTOK,), jnp.int32),
                       pltpu.VMEM((E,), jnp.int32),
                       pltpu.VMEM((E,), jnp.int32),
                       pltpu.VMEM((E,), jnp.int32),
                       pltpu.VMEM((E,), jnp.int32),
                       pltpu.VMEM((T,), jnp.int32),
                       pltpu.VMEM((5, T), jnp.int32),
                       pltpu.VMEM((NTOK, D), _F32),
                       pltpu.SemaphoreType.DMA],
    )(xhat, eid, hists, ranks)
    return outs[0], outs[1], outs[2]


def _gmm_body(m_ref,
              xs_ref, gamma_ref, beta_ref, W1_ref, b1_ref, W2_ref, b2_ref,
              out_ref):
    t = pl.program_id(0)
    lo = m_ref[2, t]
    hi = m_ref[3, t]

    @pl.when(hi > lo)
    def _compute():
        base = m_ref[0, t] * RB
        y = xs_ref[pl.ds(base, RB), :C] + W1_ref[0, :RB, :] + W2_ref[0]
        row = base + lax.broadcasted_iota(jnp.int32, (RB, 1), 0)
        y = jnp.where((row >= lo) & (row < hi), y, 0.0)
        prev = jnp.where(m_ref[4, t] != 0, 0.0, out_ref[pl.ds(base, RB), :])
        out_ref[pl.ds(base, RB), :] = prev + y


def _gmm(meta, xs, gamma, beta, W1, b1, W2, b2):
    grid_spec = pltpu.PrefetchScalarGridSpec(
        num_scalar_prefetch=1,
        grid=(T,),
        in_specs=[
            pl.BlockSpec((B, D), lambda t, m: (0, 0)),
            pl.BlockSpec((1, 1, D), lambda t, m: (m[1, t], 0, 0)),
            pl.BlockSpec((1, 1, D), lambda t, m: (m[1, t], 0, 0)),
            pl.BlockSpec((1, D, H), lambda t, m: (m[1, t], 0, 0)),
            pl.BlockSpec((1, 1, H), lambda t, m: (m[1, t], 0, 0)),
            pl.BlockSpec((1, H, C), lambda t, m: (m[1, t], 0, 0)),
            pl.BlockSpec((1, 1, C), lambda t, m: (m[1, t], 0, 0)),
        ],
        out_specs=pl.BlockSpec((B, C), lambda t, m: (0, 0)),
    )
    return pl.pallas_call(
        _gmm_body,
        grid_spec=grid_spec,
        out_shape=jax.ShapeDtypeStruct((B, C), _F32),
    )(meta, xs, gamma.reshape(E, 1, D), beta.reshape(E, 1, D),
      W1, b1.reshape(E, 1, H), W2, b2.reshape(E, 1, C))


def _sc_unperm_body(ys_hbm, inv_hbm, out_hbm, ipv, yrows, sem):
    w = lax.axis_index("s") * NC + lax.axis_index("c")
    base = w * NTOK
    pltpu.sync_copy(inv_hbm.at[pl.ds(base, NTOK)], ipv)
    pltpu.async_copy(ys_hbm.at[ipv], yrows, sem).wait()
    pltpu.sync_copy(yrows, out_hbm.at[pl.ds(base, NTOK)])


def _sc_unpermute(ys, invperm):
    mesh = plsc.VectorSubcoreMesh(core_axis_name="c", subcore_axis_name="s")
    return pl.kernel(
        _sc_unperm_body,
        out_type=jax.ShapeDtypeStruct((B, C), _F32),
        mesh=mesh,
        compiler_params=_SC_PARAMS,
        scratch_types=[pltpu.VMEM((NTOK,), jnp.int32),
                       pltpu.VMEM((NTOK, C), _F32),
                       pltpu.SemaphoreType.DMA],
    )(ys, invperm)


def kernel(x, Wr, br, gamma, beta, W1, b1, W2, b2):
    eid, xhat = _router(x, Wr, br)
    xs, invperm, meta = _sc_dispatch(xhat, eid)
    ys = _gmm(meta, xs, gamma, beta, W1, b1, W2, b2)
    return _sc_unpermute(ys, invperm)

# --- scband reference (transcript-rebuilt; emitter-appended) ---
"""Pipeline reference for scband-seq-mo-elogits-17265768529997 (READ-ONLY COPY).

The authoritative reference and input builder live on the scoring server;
editing this copy changes nothing except your own understanding.
"""

import jax, jax.numpy as jnp
import numpy as np

E = 64
K = 1
D = 768
H = 128
C = 128
B = 2048
LN_EPS = 1e-5


def _gelu(v):
    # torch.nn.GELU default = exact erf formulation
    return 0.5 * v * (1.0 + jax.scipy.special.erf(v / jnp.sqrt(2.0).astype(v.dtype)))


def setup_inputs(seed: int = 0) -> dict:
    key = jax.random.key(seed)
    ks = jax.random.split(key, 8)
    x = jax.random.normal(ks[0], (B, D), dtype=jnp.float32)
    # router Linear(D, E, bias=True)
    Wr = jax.random.normal(ks[1], (E, D), dtype=jnp.float32) * (1.0 / np.sqrt(D))
    br = jnp.zeros((E,), dtype=jnp.float32)
    # per-expert LayerNorm params
    gamma = 1.0 + 0.02 * jax.random.normal(ks[2], (E, D), dtype=jnp.float32)
    beta = 0.02 * jax.random.normal(ks[3], (E, D), dtype=jnp.float32)
    # per-expert Linear(D, H)
    W1 = jax.random.normal(ks[4], (E, D, H), dtype=jnp.float32) * (1.0 / np.sqrt(D))
    b1 = jnp.zeros((E, H), dtype=jnp.float32)
    # per-expert Linear(H, C)
    W2 = jax.random.normal(ks[5], (E, H, C), dtype=jnp.float32) * (1.0 / np.sqrt(H))
    b2 = jnp.zeros((E, C), dtype=jnp.float32)
    return {"x": x, "Wr": Wr, "br": br, "gamma": gamma, "beta": beta,
            "W1": W1, "b1": b1, "W2": W2, "b2": b2}


def reference(x, Wr, br, gamma, beta, W1, b1, W2, b2):
    # router logits [B, E] (eval mode: no jitter, dropout_p=0 -> identity)
    router_logits = x @ Wr.T + br
    topk_vals, topk_idx = jax.lax.top_k(router_logits, K)
    topk_w = jax.nn.softmax(topk_vals, axis=-1)
    # shared LayerNorm statistics (per-expert affine applied after gather)
    mu = jnp.mean(x, axis=-1, keepdims=True)
    var = jnp.var(x, axis=-1, keepdims=True)
    xhat = (x - mu) / jnp.sqrt(var + LN_EPS)
    out = jnp.zeros((x.shape[0], W2.shape[-1]), dtype=x.dtype)
    for j in range(K):
        idx = topk_idx[:, j]  # [B]
        # gather per-token expert parameters (SparseCore-style gather)
        g_j = jnp.take(gamma, idx, axis=0)   # [B, D]
        be_j = jnp.take(beta, idx, axis=0)   # [B, D]
        W1_j = jnp.take(W1, idx, axis=0)     # [B, D, H]
        b1_j = jnp.take(b1, idx, axis=0)     # [B, H]
        W2_j = jnp.take(W2, idx, axis=0)     # [B, H, C]
        b2_j = jnp.take(b2, idx, axis=0)     # [B, C]
        xn = xhat * g_j + be_j
        h = _gelu(jnp.einsum('bd,bdh->bh', xn, W1_j) + b1_j)
        y = jnp.einsum('bh,bhc->bc', h, W2_j) + b2_j
        out = out + topk_w[:, j][:, None] * y
    return out

if __name__ == "__main__":
    import jax
    _d = setup_inputs()
    print(jax.jit(kernel)(*tuple(_d.values())))

</pallas_src>

<mosaic_0001>
#map = affine_map<(d0, d1) -> (0, 0)>
#map1 = affine_map<(d0, d1) -> (0)>
module attributes {stable_mosaic.version = 14 : i64} {
  func.func @_sc_unperm_body(%arg0: i32, %arg1: i32, %arg2: memref<2048x128xf32, #tpu.memory_space<hbm>>, %arg3: memref<2048xi32, #tpu.memory_space<hbm>>, %arg4: memref<2048x128xf32, #tpu.memory_space<hbm>>, %arg5: memref<64xi32, #tpu.memory_space<vmem>>, %arg6: memref<64x128xf32, #tpu.memory_space<vmem>>, %arg7: memref<!tpu.dma_semaphore, #tpu.memory_space<semaphore_mem>>) attributes {dimension_semantics = [#tpu.dimension_semantics<core_parallel>, #tpu.dimension_semantics<subcore_parallel>], iteration_bounds = array<i64: 2, 16>, scalar_prefetch = 0 : i64, scratch_operands = 3 : i64, tpu.core_type = #tpu.core_type<sc_vector_subcore>, window_params = [{transform_indices = #map}, {transform_indices = #map1}, {transform_indices = #map}]} {
    %mul3A = arith.constant 2 : i32
    %mul3A_0 = arith.muli %arg1, %mul3A : i32
    %add3A = arith.addi %mul3A_0, %arg0 : i32
    %mul3A_1 = arith.constant 64 : i32
    %mul3A_2 = arith.muli %add3A, %mul3A_1 : i32
    "tpu.region"() ({
      %run_scoped3A = tpu.sem_alloc : memref<!tpu.dma_semaphore, #tpu.memory_space<semaphore_mem>>
      %dma_start3A_7 = tpu.memref_slice %arg3[%mul3A_2] : memref<2048xi32, #tpu.memory_space<hbm>> -> memref<64xi32, #tpu.memory_space<hbm>>
      %dma_start3A_8 = tpu.memref_slice %arg3[%mul3A_2] : memref<2048xi32, #tpu.memory_space<hbm>> -> memref<64xi32, #tpu.memory_space<hbm>>
      tpu.enqueue_dma source(%dma_start3A_8 : memref<64xi32, #tpu.memory_space<hbm>>) target(%arg5 : memref<64xi32, #tpu.memory_space<vmem>>) target_semaphore(%run_scoped3A : memref<!tpu.dma_semaphore, #tpu.memory_space<semaphore_mem>>)
      %dma_wait3A_9 = tpu.memref_slice %arg3[%mul3A_2] : memref<2048xi32, #tpu.memory_space<hbm>> -> memref<64xi32, #tpu.memory_space<hbm>>
      %dma_wait3A_10 = tpu.memref_slice %arg3[%mul3A_2] : memref<2048xi32, #tpu.memory_space<hbm>> -> memref<64xi32, #tpu.memory_space<hbm>>
      tpu.wait_dma2 semaphore(%run_scoped3A : memref<!tpu.dma_semaphore, #tpu.memory_space<semaphore_mem>>) src(%dma_wait3A_10 : memref<64xi32, #tpu.memory_space<hbm>>) dst(%arg5 : memref<64xi32, #tpu.memory_space<vmem>>)
      tpu.yield
    }) : () -> ()
    %dma_start3A = arith.constant 0 : i32
    %dma_start3A_3 = arith.constant 0 : i32
    %dma_start3A_4 = tpu.memref_slice %arg2[%dma_start3A, %dma_start3A_3] : memref<2048x128xf32, #tpu.memory_space<hbm>> -> memref<2048x128xf32, #tpu.memory_space<hbm>>
    tpu.enqueue_indirect_dma source(%dma_start3A_4 : memref<2048x128xf32, #tpu.memory_space<hbm>>) target(%arg6 : memref<64x128xf32, #tpu.memory_space<vmem>>) offsets(%arg5 : memref<64xi32, #tpu.memory_space<vmem>>) semaphore(%arg7 : memref<!tpu.dma_semaphore, #tpu.memory_space<semaphore_mem>>)
    %dma_wait3A = arith.constant 0 : i32
    %dma_wait3A_5 = arith.constant 0 : i32
    %dma_wait3A_6 = tpu.memref_slice %arg2[%dma_wait3A, %dma_wait3A_5] : memref<2048x128xf32, #tpu.memory_space<hbm>> -> memref<2048x128xf32, #tpu.memory_space<hbm>>
    tpu.wait_indirect_dma semaphore(%arg7 : memref<!tpu.dma_semaphore, #tpu.memory_space<semaphore_mem>>) src(%dma_wait3A_6 : memref<2048x128xf32, #tpu.memory_space<hbm>>) dst(%arg6 : memref<64x128xf32, #tpu.memory_space<vmem>>)
    "tpu.region"() ({
      %run_scoped3A = tpu.sem_alloc : memref<!tpu.dma_semaphore, #tpu.memory_space<semaphore_mem>>
      %dma_start3A_7 = arith.constant 0 : i32
      %dma_start3A_8 = tpu.memref_slice %arg4[%mul3A_2, %dma_start3A_7] : memref<2048x128xf32, #tpu.memory_space<hbm>> -> memref<64x128xf32, #tpu.memory_space<hbm>>
      %dma_start3A_9 = arith.constant 0 : i32
      %dma_start3A_10 = tpu.memref_slice %arg4[%mul3A_2, %dma_start3A_9] : memref<2048x128xf32, #tpu.memory_space<hbm>> -> memref<64x128xf32, #tpu.memory_space<hbm>>
      tpu.enqueue_dma source(%arg6 : memref<64x128xf32, #tpu.memory_space<vmem>>) target(%dma_start3A_10 : memref<64x128xf32, #tpu.memory_space<hbm>>) target_semaphore(%run_scoped3A : memref<!tpu.dma_semaphore, #tpu.memory_space<semaphore_mem>>)
      %dma_wait3A_11 = arith.constant 0 : i32
      %dma_wait3A_12 = tpu.memref_slice %arg4[%mul3A_2, %dma_wait3A_11] : memref<2048x128xf32, #tpu.memory_space<hbm>> -> memref<64x128xf32, #tpu.memory_space<hbm>>
      %dma_wait3A_13 = arith.constant 0 : i32
      %dma_wait3A_14 = tpu.memref_slice %arg4[%mul3A_2, %dma_wait3A_13] : memref<2048x128xf32, #tpu.memory_space<hbm>> -> memref<64x128xf32, #tpu.memory_space<hbm>>
      tpu.wait_dma2 semaphore(%run_scoped3A : memref<!tpu.dma_semaphore, #tpu.memory_space<semaphore_mem>>) src(%arg6 : memref<64x128xf32, #tpu.memory_space<vmem>>) dst(%dma_wait3A_14 : memref<64x128xf32, #tpu.memory_space<hbm>>)
      tpu.yield
    }) : () -> ()
    return
  }
}

#map = affine_map<(d0, d1) -> (0, 0)>
#map1 = affine_map<(d0, d1) -> (0)>
module attributes {stable_mosaic.version = 14 : i64} {
  func.func @_sc_scatter_body(%arg0: i32, %arg1: i32, %arg2: memref<2048x768xf32, #tpu.memory_space<hbm>>, %arg3: memref<2048xi32, #tpu.memory_space<hbm>>, %arg4: memref<32x64xi32, #tpu.memory_space<hbm>>, %arg5: memref<2048xi32, #tpu.memory_space<hbm>>, %arg6: memref<2048x768xf32, #tpu.memory_space<hbm>>, %arg7: memref<2048xi32, #tpu.memory_space<hbm>>, %arg8: memref<5x80xi32, #tpu.memory_space<hbm>>, %arg9: memref<32x64xi32, #tpu.memory_space<vmem>>, %arg10: memref<64xi32, #tpu.memory_space<vmem>>, %arg11: memref<64xi32, #tpu.memory_space<vmem>>, %arg12: memref<64xi32, #tpu.memory_space<vmem>>, %arg13: memref<64xi32, #tpu.memory_space<vmem>>, %arg14: memref<64xi32, #tpu.memory_space<vmem>>, %arg15: memref<64xi32, #tpu.memory_space<vmem>>, %arg16: memref<64xi32, #tpu.memory_space<vmem>>, %arg17: memref<80xi32, #tpu.memory_space<vmem>>, %arg18: memref<5x80xi32, #tpu.memory_space<vmem>>, %arg19: memref<64x768xf32, #tpu.memory_space<vmem>>, %arg20: memref<!tpu.dma_semaphore, #tpu.memory_space<semaphore_mem>>) attributes {dimension_semantics = [#tpu.dimension_semantics<core_parallel>, #tpu.dimension_semantics<subcore_parallel>], iteration_bounds = array<i64: 2, 16>, scalar_prefetch = 0 : i64, scratch_operands = 12 : i64, tpu.core_type = #tpu.core_type<sc_vector_subcore>, window_params = [{transform_indices = #map}, {transform_indices = #map1}, {transform_indices = #map}, {transform_indices = #map1}, {transform_indices = #map}, {transform_indices = #map1}, {transform_indices = #map}]} {
    %mul3A = arith.constant 2 : i32
    %mul3A_0 = arith.muli %arg1, %mul3A : i32
    %add3A = arith.addi %mul3A_0, %arg0 : i32
    %mul3A_1 = arith.constant 64 : i32
    %mul3A_2 = arith.muli %add3A, %mul3A_1 : i32
    %dma_start3A = arith.constant 0 : i32
    %dma_start3A_3 = tpu.memref_slice %arg2[%mul3A_2, %dma_start3A] : memref<2048x768xf32, #tpu.memory_space<hbm>> -> memref<64x768xf32, #tpu.memory_space<hbm>>
    %dma_start3A_4 = arith.constant 0 : i32
    %dma_start3A_5 = tpu.memref_slice %arg2[%mul3A_2, %dma_start3A_4] : memref<2048x768xf32, #tpu.memory_space<hbm>> -> memref<64x768xf32, #tpu.memory_space<hbm>>
    tpu.enqueue_dma source(%dma_start3A_5 : memref<64x768xf32, #tpu.memory_space<hbm>>) target(%arg19 : memref<64x768xf32, #tpu.memory_space<vmem>>) target_semaphore(%arg20 : memref<!tpu.dma_semaphore, #tpu.memory_space<semaphore_mem>>)
    "tpu.region"() ({
      %run_scoped3A = tpu.sem_alloc : memref<!tpu.dma_semaphore, #tpu.memory_space<semaphore_mem>>
      tpu.enqueue_dma source(%arg4 : memref<32x64xi32, #tpu.memory_space<hbm>>) target(%arg9 : memref<32x64xi32, #tpu.memory_space<vmem>>) target_semaphore(%run_scoped3A : memref<!tpu.dma_semaphore, #tpu.memory_space<semaphore_mem>>)
      tpu.wait_dma2 semaphore(%run_scoped3A : memref<!tpu.dma_semaphore, #tpu.memory_space<semaphore_mem>>) src(%arg4 : memref<32x64xi32, #tpu.memory_space<hbm>>) dst(%arg9 : memref<32x64xi32, #tpu.memory_space<vmem>>)
      tpu.yield
    }) : () -> ()
    "tpu.region"() ({
      %run_scoped3A = tpu.sem_alloc : memref<!tpu.dma_semaphore, #tpu.memory_space<semaphore_mem>>
      %dma_start3A_139 = tpu.memref_slice %arg3[%mul3A_2] : memref<2048xi32, #tpu.memory_space<hbm>> -> memref<64xi32, #tpu.memory_space<hbm>>
      %dma_start3A_140 = tpu.memref_slice %arg3[%mul3A_2] : memref<2048xi32, #tpu.memory_space<hbm>> -> memref<64xi32, #tpu.memory_space<hbm>>
      tpu.enqueue_dma source(%dma_start3A_140 : memref<64xi32, #tpu.memory_space<hbm>>) target(%arg10 : memref<64xi32, #tpu.memory_space<vmem>>) target_semaphore(%run_scoped3A : memref<!tpu.dma_semaphore, #tpu.memory_space<semaphore_mem>>)
      %dma_wait3A_141 = tpu.memref_slice %arg3[%mul3A_2] : memref<2048xi32, #tpu.memory_space<hbm>> -> memref<64xi32, #tpu.memory_space<hbm>>
      %dma_wait3A_142 = tpu.memref_slice %arg3[%mul3A_2] : memref<2048xi32, #tpu.memory_space<hbm>> -> memref<64xi32, #tpu.memory_space<hbm>>
      tpu.wait_dma2 semaphore(%run_scoped3A : memref<!tpu.dma_semaphore, #tpu.memory_space<semaphore_mem>>) src(%dma_wait3A_142 : memref<64xi32, #tpu.memory_space<hbm>>) dst(%arg10 : memref<64xi32, #tpu.memory_space<vmem>>)
      tpu.yield
    }) : () -> ()
    "tpu.region"() ({
      %run_scoped3A = tpu.sem_alloc : memref<!tpu.dma_semaphore, #tpu.memory_space<semaphore_mem>>
      %dma_start3A_139 = tpu.memref_slice %arg5[%mul3A_2] : memref<2048xi32, #tpu.memory_space<hbm>> -> memref<64xi32, #tpu.memory_space<hbm>>
      %dma_start3A_140 = tpu.memref_slice %arg5[%mul3A_2] : memref<2048xi32, #tpu.memory_space<hbm>> -> memref<64xi32, #tpu.memory_space<hbm>>
      tpu.enqueue_dma source(%dma_start3A_140 : memref<64xi32, #tpu.memory_space<hbm>>) target(%arg11 : memref<64xi32, #tpu.memory_space<vmem>>) target_semaphore(%run_scoped3A : memref<!tpu.dma_semaphore, #tpu.memory_space<semaphore_mem>>)
      %dma_wait3A_141 = tpu.memref_slice %arg5[%mul3A_2] : memref<2048xi32, #tpu.memory_space<hbm>> -> memref<64xi32, #tpu.memory_space<hbm>>
      %dma_wait3A_142 = tpu.memref_slice %arg5[%mul3A_2] : memref<2048xi32, #tpu.memory_space<hbm>> -> memref<64xi32, #tpu.memory_space<hbm>>
      tpu.wait_dma2 semaphore(%run_scoped3A : memref<!tpu.dma_semaphore, #tpu.memory_space<semaphore_mem>>) src(%dma_wait3A_142 : memref<64xi32, #tpu.memory_space<hbm>>) dst(%arg11 : memref<64xi32, #tpu.memory_space<vmem>>)
      tpu.yield
    }) : () -> ()
    %broadcast_in_dim3A = arith.constant 0 : i32
    %broadcast_in_dim3A_6 = vector.broadcast %broadcast_in_dim3A : i32 to vector<16xi32>
    %scan3A = arith.constant 0 : i32
    %scan3A_7 = arith.constant 32 : i32
    %scan3A_8 = arith.addi %scan3A, %scan3A_7 : i32
    %scan3A_9 = arith.constant 1 : i32
    %scan3A_10:2 = scf.for %scan3A_139 = %scan3A to %scan3A_8 step %scan3A_9 iter_args(%scan3A_140 = %broadcast_in_dim3A_6, %scan3A_141 = %broadcast_in_dim3A_6) -> (vector<16xi32>, vector<16xi32>)  : i32 {
      %get3A_142 = arith.index_cast %scan3A_139 : i32 to index
      %get3A_143 = arith.constant 0 : index
      %get3A_144 = tpu.vector_load %arg9[%get3A_142, %get3A_143] {strides = array<i32>} : memref<32x64xi32, #tpu.memory_space<vmem>>, vector<16xi32>,
      %add3A_145 = arith.addi %scan3A_140, %get3A_144 : vector<16xi32>
      %lt3A = arith.cmpi slt, %scan3A_139, %add3A : i32
      %jit3A = arith.constant 0 : i32
      %broadcast_in_dim3A_146 = vector.broadcast %jit3A : i32 to vector<16xi32>
      %select_n3A = arith.select %lt3A, %get3A_144, %broadcast_in_dim3A_146 : vector<16xi32>
      %add3A_147 = arith.addi %scan3A_141, %select_n3A : vector<16xi32>
      scf.yield %add3A_145, %add3A_147 : vector<16xi32>, vector<16xi32>
    }
    %scan3A_11 = arith.constant 32 : i32
    %broadcast_in_dim3A_12 = arith.constant true
    %broadcast_in_dim3A_13 = vector.broadcast %broadcast_in_dim3A_12 : i1 to vector<16xi1>
    %masked_cumsum3A = tpu.scan <sum>, %scan3A_10#0 masked %broadcast_in_dim3A_13 : vector<16xi32>, vector<16xi1> -> vector<16xi32>
    %sub3A = arith.subi %masked_cumsum3A, %scan3A_10#0 : vector<16xi32>
    %add3A_14 = arith.constant 0 : i32
    %add3A_15 = vector.broadcast %add3A_14 : i32 to vector<16xi32>
    %add3A_16 = arith.addi %sub3A, %add3A_15 : vector<16xi32>
    %add3A_17 = arith.addi %add3A_16, %scan3A_10#1 : vector<16xi32>
    %swap3A = arith.constant 0 : index
    %swap3A_18 = tpu.vector_load %arg13[%swap3A] {strides = array<i32>} : memref<64xi32, #tpu.memory_space<vmem>>, vector<16xi32>,
    tpu.vector_store %arg13[%swap3A], %add3A_17 {strides = array<i32>} : memref<64xi32, #tpu.memory_space<vmem>>, vector<16xi32>,
    %swap3A_19 = arith.constant 0 : index
    %swap3A_20 = tpu.vector_load %arg14[%swap3A_19] {strides = array<i32>} : memref<64xi32, #tpu.memory_space<vmem>>, vector<16xi32>,
    tpu.vector_store %arg14[%swap3A_19], %scan3A_10#0 {strides = array<i32>} : memref<64xi32, #tpu.memory_space<vmem>>, vector<16xi32>,
    %reduce_sum3A = arith.constant true
    %reduce_sum3A_21 = vector.broadcast %reduce_sum3A : i1 to vector<16xi1>
    %reduce_sum3A_22 = tpu.scan <sum>, %scan3A_10#0 masked %reduce_sum3A_21 : vector<16xi32>, vector<16xi1> -> vector<16xi32>
    %reduce_sum3A_23 = vector.extract %reduce_sum3A_22[15] : i32 from vector<16xi32>
    %add3A_24 = arith.constant 0 : i32
    %add3A_25 = arith.addi %add3A_24, %reduce_sum3A_23 : i32
    %broadcast_in_dim3A_26 = arith.constant 0 : i32
    %broadcast_in_dim3A_27 = vector.broadcast %broadcast_in_dim3A_26 : i32 to vector<16xi32>
    %scan3A_28 = arith.constant 0 : i32
    %scan3A_29 = arith.constant 32 : i32
    %scan3A_30 = arith.addi %scan3A_28, %scan3A_29 : i32
    %scan3A_31 = arith.constant 1 : i32
    %scan3A_32:2 = scf.for %scan3A_139 = %scan3A_28 to %scan3A_30 step %scan3A_31 iter_args(%scan3A_140 = %broadcast_in_dim3A_27, %scan3A_141 = %broadcast_in_dim3A_27) -> (vector<16xi32>, vector<16xi32>)  : i32 {
      %get3A_142 = arith.index_cast %scan3A_139 : i32 to index
      %get3A_143 = arith.constant 16 : index
      %get3A_144 = tpu.vector_load %arg9[%get3A_142, %get3A_143] {strides = array<i32>} : memref<32x64xi32, #tpu.memory_space<vmem>>, vector<16xi32>,
      %add3A_145 = arith.addi %scan3A_140, %get3A_144 : vector<16xi32>
      %lt3A = arith.cmpi slt, %scan3A_139, %add3A : i32
      %jit3A = arith.constant 0 : i32
      %broadcast_in_dim3A_146 = vector.broadcast %jit3A : i32 to vector<16xi32>
      %select_n3A = arith.select %lt3A, %get3A_144, %broadcast_in_dim3A_146 : vector<16xi32>
      %add3A_147 = arith.addi %scan3A_141, %select_n3A : vector<16xi32>
      scf.yield %add3A_145, %add3A_147 : vector<16xi32>, vector<16xi32>
    }
    %scan3A_33 = arith.constant 32 : i32
    %broadcast_in_dim3A_34 = arith.constant true
    %broadcast_in_dim3A_35 = vector.broadcast %broadcast_in_dim3A_34 : i1 to vector<16xi1>
    %masked_cumsum3A_36 = tpu.scan <sum>, %scan3A_32#0 masked %broadcast_in_dim3A_35 : vector<16xi32>, vector<16xi1> -> vector<16xi32>
    %sub3A_37 = arith.subi %masked_cumsum3A_36, %scan3A_32#0 : vector<16xi32>
    %add3A_38 = vector.broadcast %add3A_25 : i32 to vector<16xi32>
    %add3A_39 = arith.addi %sub3A_37, %add3A_38 : vector<16xi32>
    %add3A_40 = arith.addi %add3A_39, %scan3A_32#1 : vector<16xi32>
    %swap3A_41 = arith.constant 16 : index
    %swap3A_42 = tpu.vector_load %arg13[%swap3A_41] {strides = array<i32>} : memref<64xi32, #tpu.memory_space<vmem>>, vector<16xi32>,
    tpu.vector_store %arg13[%swap3A_41], %add3A_40 {strides = array<i32>} : memref<64xi32, #tpu.memory_space<vmem>>, vector<16xi32>,
    %swap3A_43 = arith.constant 16 : index
    %swap3A_44 = tpu.vector_load %arg14[%swap3A_43] {strides = array<i32>} : memref<64xi32, #tpu.memory_space<vmem>>, vector<16xi32>,
    tpu.vector_store %arg14[%swap3A_43], %scan3A_32#0 {strides = array<i32>} : memref<64xi32, #tpu.memory_space<vmem>>, vector<16xi32>,
    %reduce_sum3A_45 = arith.constant true
    %reduce_sum3A_46 = vector.broadcast %reduce_sum3A_45 : i1 to vector<16xi1>
    %reduce_sum3A_47 = tpu.scan <sum>, %scan3A_32#0 masked %reduce_sum3A_46 : vector<16xi32>, vector<16xi1> -> vector<16xi32>
    %reduce_sum3A_48 = vector.extract %reduce_sum3A_47[15] : i32 from vector<16xi32>
    %add3A_49 = arith.addi %add3A_25, %reduce_sum3A_48 : i32
    %broadcast_in_dim3A_50 = arith.constant 0 : i32
    %broadcast_in_dim3A_51 = vector.broadcast %broadcast_in_dim3A_50 : i32 to vector<16xi32>
    %scan3A_52 = arith.constant 0 : i32
    %scan3A_53 = arith.constant 32 : i32
    %scan3A_54 = arith.addi %scan3A_52, %scan3A_53 : i32
    %scan3A_55 = arith.constant 1 : i32
    %scan3A_56:2 = scf.for %scan3A_139 = %scan3A_52 to %scan3A_54 step %scan3A_55 iter_args(%scan3A_140 = %broadcast_in_dim3A_51, %scan3A_141 = %broadcast_in_dim3A_51) -> (vector<16xi32>, vector<16xi32>)  : i32 {
      %get3A_142 = arith.index_cast %scan3A_139 : i32 to index
      %get3A_143 = arith.constant 32 : index
      %get3A_144 = tpu.vector_load %arg9[%get3A_142, %get3A_143] {strides = array<i32>} : memref<32x64xi32, #tpu.memory_space<vmem>>, vector<16xi32>,
      %add3A_145 = arith.addi %scan3A_140, %get3A_144 : vector<16xi32>
      %lt3A = arith.cmpi slt, %scan3A_139, %add3A : i32
      %jit3A = arith.constant 0 : i32
      %broadcast_in_dim3A_146 = vector.broadcast %jit3A : i32 to vector<16xi32>
      %select_n3A = arith.select %lt3A, %get3A_144, %broadcast_in_dim3A_146 : vector<16xi32>
      %add3A_147 = arith.addi %scan3A_141, %select_n3A : vector<16xi32>
      scf.yield %add3A_145, %add3A_147 : vector<16xi32>, vector<16xi32>
    }
    %scan3A_57 = arith.constant 32 : i32
    %broadcast_in_dim3A_58 = arith.constant true
    %broadcast_in_dim3A_59 = vector.broadcast %broadcast_in_dim3A_58 : i1 to vector<16xi1>
    %masked_cumsum3A_60 = tpu.scan <sum>, %scan3A_56#0 masked %broadcast_in_dim3A_59 : vector<16xi32>, vector<16xi1> -> vector<16xi32>
    %sub3A_61 = arith.subi %masked_cumsum3A_60, %scan3A_56#0 : vector<16xi32>
    %add3A_62 = vector.broadcast %add3A_49 : i32 to vector<16xi32>
    %add3A_63 = arith.addi %sub3A_61, %add3A_62 : vector<16xi32>
    %add3A_64 = arith.addi %add3A_63, %scan3A_56#1 : vector<16xi32>
    %swap3A_65 = arith.constant 32 : index
    %swap3A_66 = tpu.vector_load %arg13[%swap3A_65] {strides = array<i32>} : memref<64xi32, #tpu.memory_space<vmem>>, vector<16xi32>,
    tpu.vector_store %arg13[%swap3A_65], %add3A_64 {strides = array<i32>} : memref<64xi32, #tpu.memory_space<vmem>>, vector<16xi32>,
    %swap3A_67 = arith.constant 32 : index
    %swap3A_68 = tpu.vector_load %arg14[%swap3A_67] {strides = array<i32>} : memref<64xi32, #tpu.memory_space<vmem>>, vector<16xi32>,
    tpu.vector_store %arg14[%swap3A_67], %scan3A_56#0 {strides = array<i32>} : memref<64xi32, #tpu.memory_space<vmem>>, vector<16xi32>,
    %reduce_sum3A_69 = arith.constant true
    %reduce_sum3A_70 = vector.broadcast %reduce_sum3A_69 : i1 to vector<16xi1>
    %reduce_sum3A_71 = tpu.scan <sum>, %scan3A_56#0 masked %reduce_sum3A_70 : vector<16xi32>, vector<16xi1> -> vector<16xi32>
    %reduce_sum3A_72 = vector.extract %reduce_sum3A_71[15] : i32 from vector<16xi32>
    %add3A_73 = arith.addi %add3A_49, %reduce_sum3A_72 : i32
    %broadcast_in_dim3A_74 = arith.constant 0 : i32
    %broadcast_in_dim3A_75 = vector.broadcast %broadcast_in_dim3A_74 : i32 to vector<16xi32>
    %scan3A_76 = arith.constant 0 : i32
    %scan3A_77 = arith.constant 32 : i32
    %scan3A_78 = arith.addi %scan3A_76, %scan3A_77 : i32
    %scan3A_79 = arith.constant 1 : i32
    %scan3A_80:2 = scf.for %scan3A_139 = %scan3A_76 to %scan3A_78 step %scan3A_79 iter_args(%scan3A_140 = %broadcast_in_dim3A_75, %scan3A_141 = %broadcast_in_dim3A_75) -> (vector<16xi32>, vector<16xi32>)  : i32 {
      %get3A_142 = arith.index_cast %scan3A_139 : i32 to index
      %get3A_143 = arith.constant 48 : index
      %get3A_144 = tpu.vector_load %arg9[%get3A_142, %get3A_143] {strides = array<i32>} : memref<32x64xi32, #tpu.memory_space<vmem>>, vector<16xi32>,
      %add3A_145 = arith.addi %scan3A_140, %get3A_144 : vector<16xi32>
      %lt3A = arith.cmpi slt, %scan3A_139, %add3A : i32
      %jit3A = arith.constant 0 : i32
      %broadcast_in_dim3A_146 = vector.broadcast %jit3A : i32 to vector<16xi32>
      %select_n3A = arith.select %lt3A, %get3A_144, %broadcast_in_dim3A_146 : vector<16xi32>
      %add3A_147 = arith.addi %scan3A_141, %select_n3A : vector<16xi32>
      scf.yield %add3A_145, %add3A_147 : vector<16xi32>, vector<16xi32>
    }
    %scan3A_81 = arith.constant 32 : i32
    %broadcast_in_dim3A_82 = arith.constant true
    %broadcast_in_dim3A_83 = vector.broadcast %broadcast_in_dim3A_82 : i1 to vector<16xi1>
    %masked_cumsum3A_84 = tpu.scan <sum>, %scan3A_80#0 masked %broadcast_in_dim3A_83 : vector<16xi32>, vector<16xi1> -> vector<16xi32>
    %sub3A_85 = arith.subi %masked_cumsum3A_84, %scan3A_80#0 : vector<16xi32>
    %add3A_86 = vector.broadcast %add3A_73 : i32 to vector<16xi32>
    %add3A_87 = arith.addi %sub3A_85, %add3A_86 : vector<16xi32>
    %add3A_88 = arith.addi %add3A_87, %scan3A_80#1 : vector<16xi32>
    %swap3A_89 = arith.constant 48 : index
    %swap3A_90 = tpu.vector_load %arg13[%swap3A_89] {strides = array<i32>} : memref<64xi32, #tpu.memory_space<vmem>>, vector<16xi32>,
    tpu.vector_store %arg13[%swap3A_89], %add3A_88 {strides = array<i32>} : memref<64xi32, #tpu.memory_space<vmem>>, vector<16xi32>,
    %swap3A_91 = arith.constant 48 : index
    %swap3A_92 = tpu.vector_load %arg14[%swap3A_91] {strides = array<i32>} : memref<64xi32, #tpu.memory_space<vmem>>, vector<16xi32>,
    tpu.vector_store %arg14[%swap3A_91], %scan3A_80#0 {strides = array<i32>} : memref<64xi32, #tpu.memory_space<vmem>>, vector<16xi32>,
    %reduce_sum3A_93 = arith.constant true
    %reduce_sum3A_94 = vector.broadcast %reduce_sum3A_93 : i1 to vector<16xi1>
    %reduce_sum3A_95 = tpu.scan <sum>, %scan3A_80#0 masked %reduce_sum3A_94 : vector<16xi32>, vector<16xi1> -> vector<16xi32>
    %reduce_sum3A_96 = vector.extract %reduce_sum3A_95[15] : i32 from vector<16xi32>
    %add3A_97 = arith.addi %add3A_73, %reduce_sum3A_96 : i32
    %get3A = arith.constant 0 : index
    %get3A_98 = tpu.vector_load %arg10[%get3A] {strides = array<i32>} : memref<64xi32, #tpu.memory_space<vmem>>, vector<16xi32>,
    %gather3A = tpu.vector_load_idx %arg13[%get3A_98] : memref<64xi32, #tpu.memory_space<vmem>>[vector<16xi32>], vector<16xi32>,
    %get3A_99 = arith.constant 0 : index
    %get3A_100 = tpu.vector_load %arg11[%get3A_99] {strides = array<i32>} : memref<64xi32, #tpu.memory_space<vmem>>, vector<16xi32>,
    %add3A_101 = arith.addi %gather3A, %get3A_100 : vector<16xi32>
    %swap3A_102 = arith.constant 0 : index
    %swap3A_103 = tpu.vector_load %arg12[%swap3A_102] {strides = array<i32>} : memref<64xi32, #tpu.memory_space<vmem>>, vector<16xi32>,
    tpu.vector_store %arg12[%swap3A_102], %add3A_101 {strides = array<i32>} : memref<64xi32, #tpu.memory_space<vmem>>, vector<16xi32>,
    %get3A_104 = arith.constant 16 : index
    %get3A_105 = tpu.vector_load %arg10[%get3A_104] {strides = array<i32>} : memref<64xi32, #tpu.memory_space<vmem>>, vector<16xi32>,
    %gather3A_106 = tpu.vector_load_idx %arg13[%get3A_105] : memref<64xi32, #tpu.memory_space<vmem>>[vector<16xi32>], vector<16xi32>,
    %get3A_107 = arith.constant 16 : index
    %get3A_108 = tpu.vector_load %arg11[%get3A_107] {strides = array<i32>} : memref<64xi32, #tpu.memory_space<vmem>>, vector<16xi32>,
    %add3A_109 = arith.addi %gather3A_106, %get3A_108 : vector<16xi32>
    %swap3A_110 = arith.constant 16 : index
    %swap3A_111 = tpu.vector_load %arg12[%swap3A_110] {strides = array<i32>} : memref<64xi32, #tpu.memory_space<vmem>>, vector<16xi32>,
    tpu.vector_store %arg12[%swap3A_110], %add3A_109 {strides = array<i32>} : memref<64xi32, #tpu.memory_space<vmem>>, vector<16xi32>,
    %get3A_112 = arith.constant 32 : index
    %get3A_113 = tpu.vector_load %arg10[%get3A_112] {strides = array<i32>} : memref<64xi32, #tpu.memory_space<vmem>>, vector<16xi32>,
    %gather3A_114 = tpu.vector_load_idx %arg13[%get3A_113] : memref<64xi32, #tpu.memory_space<vmem>>[vector<16xi32>], vector<16xi32>,
    %get3A_115 = arith.constant 32 : index
    %get3A_116 = tpu.vector_load %arg11[%get3A_115] {strides = array<i32>} : memref<64xi32, #tpu.memory_space<vmem>>, vector<16xi32>,
    %add3A_117 = arith.addi %gather3A_114, %get3A_116 : vector<16xi32>
    %swap3A_118 = arith.constant 32 : index
    %swap3A_119 = tpu.vector_load %arg12[%swap3A_118] {strides = array<i32>} : memref<64xi32, #tpu.memory_space<vmem>>, vector<16xi32>,
    tpu.vector_store %arg12[%swap3A_118], %add3A_117 {strides = array<i32>} : memref<64xi32, #tpu.memory_space<vmem>>, vector<16xi32>,
    %get3A_120 = arith.constant 48 : index
    %get3A_121 = tpu.vector_load %arg10[%get3A_120] {strides = array<i32>} : memref<64xi32, #tpu.memory_space<vmem>>, vector<16xi32>,
    %gather3A_122 = tpu.vector_load_idx %arg13[%get3A_121] : memref<64xi32, #tpu.memory_space<vmem>>[vector<16xi32>], vector<16xi32>,
    %get3A_123 = arith.constant 48 : index
    %get3A_124 = tpu.vector_load %arg11[%get3A_123] {strides = array<i32>} : memref<64xi32, #tpu.memory_space<vmem>>, vector<16xi32>,
    %add3A_125 = arith.addi %gather3A_122, %get3A_124 : vector<16xi32>
    %swap3A_126 = arith.constant 48 : index
    %swap3A_127 = tpu.vector_load %arg12[%swap3A_126] {strides = array<i32>} : memref<64xi32, #tpu.memory_space<vmem>>, vector<16xi32>,
    tpu.vector_store %arg12[%swap3A_126], %add3A_125 {strides = array<i32>} : memref<64xi32, #tpu.memory_space<vmem>>, vector<16xi32>,
    "tpu.region"() ({
      %run_scoped3A = tpu.sem_alloc : memref<!tpu.dma_semaphore, #tpu.memory_space<semaphore_mem>>
      %dma_start3A_139 = tpu.memref_slice %arg7[%mul3A_2] : memref<2048xi32, #tpu.memory_space<hbm>> -> memref<64xi32, #tpu.memory_space<hbm>>
      %dma_start3A_140 = tpu.memref_slice %arg7[%mul3A_2] : memref<2048xi32, #tpu.memory_space<hbm>> -> memref<64xi32, #tpu.memory_space<hbm>>
      tpu.enqueue_dma source(%arg12 : memref<64xi32, #tpu.memory_space<vmem>>) target(%dma_start3A_140 : memref<64xi32, #tpu.memory_space<hbm>>) target_semaphore(%run_scoped3A : memref<!tpu.dma_semaphore, #tpu.memory_space<semaphore_mem>>)
      %dma_wait3A_141 = tpu.memref_slice %arg7[%mul3A_2] : memref<2048xi32, #tpu.memory_space<hbm>> -> memref<64xi32, #tpu.memory_space<hbm>>
      %dma_wait3A_142 = tpu.memref_slice %arg7[%mul3A_2] : memref<2048xi32, #tpu.memory_space<hbm>> -> memref<64xi32, #tpu.memory_space<hbm>>
      tpu.wait_dma2 semaphore(%run_scoped3A : memref<!tpu.dma_semaphore, #tpu.memory_space<semaphore_mem>>) src(%arg12 : memref<64xi32, #tpu.memory_space<vmem>>) dst(%dma_wait3A_142 : memref<64xi32, #tpu.memory_space<hbm>>)
      tpu.yield
    }) : () -> ()
    %eq3A = arith.constant 0 : i32
    %eq3A_128 = arith.cmpi eq, %add3A, %eq3A : i32
    %convert_element_type3A = arith.extui %eq3A_128 : i1 to i32
    %cond3A = arith.constant 0 : i32
    %cond3A_129 = arith.cmpi ne, %convert_element_type3A, %cond3A : i32
    scf.if %cond3A_129 {
      %broadcast_in_dim3A_139 = arith.constant 0 : i32
      %broadcast_in_dim3A_140 = vector.broadcast %broadcast_in_dim3A_139 : i32 to vector<16xi32>
      %swap3A_141 = arith.constant 0 : index
      %swap3A_142 = tpu.vector_load %arg17[%swap3A_141] {strides = array<i32>} : memref<80xi32, #tpu.memory_space<vmem>>, vector<16xi32>,
      tpu.vector_store %arg17[%swap3A_141], %broadcast_in_dim3A_140 {strides = array<i32>} : memref<80xi32, #tpu.memory_space<vmem>>, vector<16xi32>,
      %swap3A_143 = arith.constant 16 : index
      %swap3A_144 = tpu.vector_load %arg17[%swap3A_143] {strides = array<i32>} : memref<80xi32, #tpu.memory_space<vmem>>, vector<16xi32>,
      tpu.vector_store %arg17[%swap3A_143], %broadcast_in_dim3A_140 {strides = array<i32>} : memref<80xi32, #tpu.memory_space<vmem>>, vector<16xi32>,
      %swap3A_145 = arith.constant 32 : index
      %swap3A_146 = tpu.vector_load %arg17[%swap3A_145] {strides = array<i32>} : memref<80xi32, #tpu.memory_space<vmem>>, vector<16xi32>,
      tpu.vector_store %arg17[%swap3A_145], %broadcast_in_dim3A_140 {strides = array<i32>} : memref<80xi32, #tpu.memory_space<vmem>>, vector<16xi32>,
      %swap3A_147 = arith.constant 48 : index
      %swap3A_148 = tpu.vector_load %arg17[%swap3A_147] {strides = array<i32>} : memref<80xi32, #tpu.memory_space<vmem>>, vector<16xi32>,
      tpu.vector_store %arg17[%swap3A_147], %broadcast_in_dim3A_140 {strides = array<i32>} : memref<80xi32, #tpu.memory_space<vmem>>, vector<16xi32>,
      %swap3A_149 = arith.constant 64 : index
      %swap3A_150 = tpu.vector_load %arg17[%swap3A_149] {strides = array<i32>} : memref<80xi32, #tpu.memory_space<vmem>>, vector<16xi32>,
      tpu.vector_store %arg17[%swap3A_149], %broadcast_in_dim3A_140 {strides = array<i32>} : memref<80xi32, #tpu.memory_space<vmem>>, vector<16xi32>,
      %get3A_151 = arith.constant 0 : index
      %get3A_152 = tpu.vector_load %arg13[%get3A_151] {strides = array<i32>} : memref<64xi32, #tpu.memory_space<vmem>>, vector<16xi32>,
      %get3A_153 = arith.constant 0 : index
      %get3A_154 = tpu.vector_load %arg14[%get3A_153] {strides = array<i32>} : memref<64xi32, #tpu.memory_space<vmem>>, vector<16xi32>,
      %div3A = arith.constant 128 : i32
      %div3A_155 = vector.broadcast %div3A : i32 to vector<16xi32>
      %div3A_156 = arith.divsi %get3A_152, %div3A_155 : vector<16xi32>
      %add3A_157 = arith.addi %get3A_152, %get3A_154 : vector<16xi32>
      %sub3A_158 = arith.constant 1 : i32
      %sub3A_159 = vector.broadcast %sub3A_158 : i32 to vector<16xi32>
      %sub3A_160 = arith.subi %add3A_157, %sub3A_159 : vector<16xi32>
      %div3A_161 = arith.constant 128 : i32
      %div3A_162 = vector.broadcast %div3A_161 : i32 to vector<16xi32>
      %div3A_163 = arith.divsi %sub3A_160, %div3A_162 : vector<16xi32>
      %gt3A = arith.constant 0 : i32
      %gt3A_164 = vector.broadcast %gt3A : i32 to vector<16xi32>
      %gt3A_165 = arith.cmpi sgt, %get3A_154, %gt3A_164 : vector<16xi32>
      %sub3A_166 = arith.subi %div3A_163, %div3A_156 : vector<16xi32>
      %add3A_167 = arith.constant 1 : i32
      %add3A_168 = vector.broadcast %add3A_167 : i32 to vector<16xi32>
      %add3A_169 = arith.addi %sub3A_166, %add3A_168 : vector<16xi32>
      %jit3A = arith.constant 0 : i32
      %broadcast_in_dim3A_170 = vector.broadcast %jit3A : i32 to vector<16xi32>
      %select_n3A = arith.select %gt3A_165, %add3A_169, %broadcast_in_dim3A_170 : vector<16xi1>, vector<16xi32>
      %broadcast_in_dim3A_171 = arith.constant true
      %broadcast_in_dim3A_172 = vector.broadcast %broadcast_in_dim3A_171 : i1 to vector<16xi1>
      %masked_cumsum3A_173 = tpu.scan <sum>, %select_n3A masked %broadcast_in_dim3A_172 : vector<16xi32>, vector<16xi1> -> vector<16xi32>
      %sub3A_174 = arith.subi %masked_cumsum3A_173, %select_n3A : vector<16xi32>
      %add3A_175 = arith.constant 0 : i32
      %add3A_176 = vector.broadcast %add3A_175 : i32 to vector<16xi32>
      %add3A_177 = arith.addi %sub3A_174, %add3A_176 : vector<16xi32>
      %reduce_sum3A_178 = arith.constant true
      %reduce_sum3A_179 = vector.broadcast %reduce_sum3A_178 : i1 to vector<16xi1>
      %reduce_sum3A_180 = tpu.scan <sum>, %select_n3A masked %reduce_sum3A_179 : vector<16xi32>, vector<16xi1> -> vector<16xi32>
      %reduce_sum3A_181 = vector.extract %reduce_sum3A_180[15] : i32 from vector<16xi32>
      %add3A_182 = arith.constant 0 : i32
      %add3A_183 = arith.addi %add3A_182, %reduce_sum3A_181 : i32
      %swap3A_184 = arith.constant 0 : index
      %swap3A_185 = tpu.vector_load %arg15[%swap3A_184] {strides = array<i32>} : memref<64xi32, #tpu.memory_space<vmem>>, vector<16xi32>,
      tpu.vector_store %arg15[%swap3A_184], %div3A_156 {strides = array<i32>} : memref<64xi32, #tpu.memory_space<vmem>>, vector<16xi32>,
      %swap3A_186 = arith.constant 0 : index
      %swap3A_187 = tpu.vector_load %arg16[%swap3A_186] {strides = array<i32>} : memref<64xi32, #tpu.memory_space<vmem>>, vector<16xi32>,
      tpu.vector_store %arg16[%swap3A_186], %add3A_177 {strides = array<i32>} : memref<64xi32, #tpu.memory_space<vmem>>, vector<16xi32>,
      %iota3A = tpu.iota {dimensions = array<i32: 0>} : vector<16xi32>
      %add3A_188 = arith.constant 0 : i32
      %add3A_189 = vector.broadcast %add3A_188 : i32 to vector<16xi32>
      %add3A_190 = arith.addi %iota3A, %add3A_189 : vector<16xi32>
      %gt3A_191 = arith.constant 0 : i32
      %gt3A_192 = vector.broadcast %gt3A_191 : i32 to vector<16xi32>
      %gt3A_193 = arith.cmpi sgt, %get3A_154, %gt3A_192 : vector<16xi32>
      tpu.vector_store_idx %arg17[%add3A_177], %add3A_190 masked %gt3A_193 : memref<80xi32, #tpu.memory_space<vmem>>[vector<16xi32>], vector<16xi32>, vector<16xi1>
      %get3A_194 = arith.constant 16 : index
      %get3A_195 = tpu.vector_load %arg13[%get3A_194] {strides = array<i32>} : memref<64xi32, #tpu.memory_space<vmem>>, vector<16xi32>,
      %get3A_196 = arith.constant 16 : index
      %get3A_197 = tpu.vector_load %arg14[%get3A_196] {strides = array<i32>} : memref<64xi32, #tpu.memory_space<vmem>>, vector<16xi32>,
      %div3A_198 = arith.constant 128 : i32
      %div3A_199 = vector.broadcast %div3A_198 : i32 to vector<16xi32>
      %div3A_200 = arith.divsi %get3A_195, %div3A_199 : vector<16xi32>
      %add3A_201 = arith.addi %get3A_195, %get3A_197 : vector<16xi32>
      %sub3A_202 = arith.constant 1 : i32
      %sub3A_203 = vector.broadcast %sub3A_202 : i32 to vector<16xi32>
      %sub3A_204 = arith.subi %add3A_201, %sub3A_203 : vector<16xi32>
      %div3A_205 = arith.constant 128 : i32
      %div3A_206 = vector.broadcast %div3A_205 : i32 to vector<16xi32>
      %div3A_207 = arith.divsi %sub3A_204, %div3A_206 : vector<16xi32>
      %gt3A_208 = arith.constant 0 : i32
      %gt3A_209 = vector.broadcast %gt3A_208 : i32 to vector<16xi32>
      %gt3A_210 = arith.cmpi sgt, %get3A_197, %gt3A_209 : vector<16xi32>
      %sub3A_211 = arith.subi %div3A_207, %div3A_200 : vector<16xi32>
      %add3A_212 = arith.constant 1 : i32
      %add3A_213 = vector.broadcast %add3A_212 : i32 to vector<16xi32>
      %add3A_214 = arith.addi %sub3A_211, %add3A_213 : vector<16xi32>
      %jit3A_215 = arith.constant 0 : i32
      %broadcast_in_dim3A_216 = vector.broadcast %jit3A_215 : i32 to vector<16xi32>
      %select_n3A_217 = arith.select %gt3A_210, %add3A_214, %broadcast_in_dim3A_216 : vector<16xi1>, vector<16xi32>
      %broadcast_in_dim3A_218 = arith.constant true
      %broadcast_in_dim3A_219 = vector.broadcast %broadcast_in_dim3A_218 : i1 to vector<16xi1>
      %masked_cumsum3A_220 = tpu.scan <sum>, %select_n3A_217 masked %broadcast_in_dim3A_219 : vector<16xi32>, vector<16xi1> -> vector<16xi32>
      %sub3A_221 = arith.subi %masked_cumsum3A_220, %select_n3A_217 : vector<16xi32>
      %add3A_222 = vector.broadcast %add3A_183 : i32 to vector<16xi32>
      %add3A_223 = arith.addi %sub3A_221, %add3A_222 : vector<16xi32>
      %reduce_sum3A_224 = arith.constant true
      %reduce_sum3A_225 = vector.broadcast %reduce_sum3A_224 : i1 to vector<16xi1>
      %reduce_sum3A_226 = tpu.scan <sum>, %select_n3A_217 masked %reduce_sum3A_225 : vector<16xi32>, vector<16xi1> -> vector<16xi32>
      %reduce_sum3A_227 = vector.extract %reduce_sum3A_226[15] : i32 from vector<16xi32>
      %add3A_228 = arith.addi %add3A_183, %reduce_sum3A_227 : i32
      %swap3A_229 = arith.constant 16 : index
      %swap3A_230 = tpu.vector_load %arg15[%swap3A_229] {strides = array<i32>} : memref<64xi32, #tpu.memory_space<vmem>>, vector<16xi32>,
      tpu.vector_store %arg15[%swap3A_229], %div3A_200 {strides = array<i32>} : memref<64xi32, #tpu.memory_space<vmem>>, vector<16xi32>,
      %swap3A_231 = arith.constant 16 : index
      %swap3A_232 = tpu.vector_load %arg16[%swap3A_231] {strides = array<i32>} : memref<64xi32, #tpu.memory_space<vmem>>, vector<16xi32>,
      tpu.vector_store %arg16[%swap3A_231], %add3A_223 {strides = array<i32>} : memref<64xi32, #tpu.memory_space<vmem>>, vector<16xi32>,
      %iota3A_233 = tpu.iota {dimensions = array<i32: 0>} : vector<16xi32>
      %add3A_234 = arith.constant 16 : i32
      %add3A_235 = vector.broadcast %add3A_234 : i32 to vector<16xi32>
      %add3A_236 = arith.addi %iota3A_233, %add3A_235 : vector<16xi32>
      %gt3A_237 = arith.constant 0 : i32
      %gt3A_238 = vector.broadcast %gt3A_237 : i32 to vector<16xi32>
      %gt3A_239 = arith.cmpi sgt, %get3A_197, %gt3A_238 : vector<16xi32>
      tpu.vector_store_idx %arg17[%add3A_223], %add3A_236 masked %gt3A_239 : memref<80xi32, #tpu.memory_space<vmem>>[vector<16xi32>], vector<16xi32>, vector<16xi1>
      %get3A_240 = arith.constant 32 : index
      %get3A_241 = tpu.vector_load %arg13[%get3A_240] {strides = array<i32>} : memref<64xi32, #tpu.memory_space<vmem>>, vector<16xi32>,
      %get3A_242 = arith.constant 32 : index
      %get3A_243 = tpu.vector_load %arg14[%get3A_242] {strides = array<i32>} : memref<64xi32, #tpu.memory_space<vmem>>, vector<16xi32>,
      %div3A_244 = arith.constant 128 : i32
      %div3A_245 = vector.broadcast %div3A_244 : i32 to vector<16xi32>
      %div3A_246 = arith.divsi %get3A_241, %div3A_245 : vector<16xi32>
      %add3A_247 = arith.addi %get3A_241, %get3A_243 : vector<16xi32>
      %sub3A_248 = arith.constant 1 : i32
      %sub3A_249 = vector.broadcast %sub3A_248 : i32 to vector<16xi32>
      %sub3A_250 = arith.subi %add3A_247, %sub3A_249 : vector<16xi32>
      %div3A_251 = arith.constant 128 : i32
      %div3A_252 = vector.broadcast %div3A_251 : i32 to vector<16xi32>
      %div3A_253 = arith.divsi %sub3A_250, %div3A_252 : vector<16xi32>
      %gt3A_254 = arith.constant 0 : i32
      %gt3A_255 = vector.broadcast %gt3A_254 : i32 to vector<16xi32>
      %gt3A_256 = arith.cmpi sgt, %get3A_243, %gt3A_255 : vector<16xi32>
      %sub3A_257 = arith.subi %div3A_253, %div3A_246 : vector<16xi32>
      %add3A_258 = arith.constant 1 : i32
      %add3A_259 = vector.broadcast %add3A_258 : i32 to vector<16xi32>
      %add3A_260 = arith.addi %sub3A_257, %add3A_259 : vector<16xi32>
      %jit3A_261 = arith.constant 0 : i32
      %broadcast_in_dim3A_262 = vector.broadcast %jit3A_261 : i32 to vector<16xi32>
      %select_n3A_263 = arith.select %gt3A_256, %add3A_260, %broadcast_in_dim3A_262 : vector<16xi1>, vector<16xi32>
      %broadcast_in_dim3A_264 = arith.constant true
      %broadcast_in_dim3A_265 = vector.broadcast %broadcast_in_dim3A_264 : i1 to vector<16xi1>
      %masked_cumsum3A_266 = tpu.scan <sum>, %select_n3A_263 masked %broadcast_in_dim3A_265 : vector<16xi32>, vector<16xi1> -> vector<16xi32>
      %sub3A_267 = arith.subi %masked_cumsum3A_266, %select_n3A_263 : vector<16xi32>
      %add3A_268 = vector.broadcast %add3A_228 : i32 to vector<16xi32>
      %add3A_269 = arith.addi %sub3A_267, %add3A_268 : vector<16xi32>
      %reduce_sum3A_270 = arith.constant true
      %reduce_sum3A_271 = vector.broadcast %reduce_sum3A_270 : i1 to vector<16xi1>
      %reduce_sum3A_272 = tpu.scan <sum>, %select_n3A_263 masked %reduce_sum3A_271 : vector<16xi32>, vector<16xi1> -> vector<16xi32>
      %reduce_sum3A_273 = vector.extract %reduce_sum3A_272[15] : i32 from vector<16xi32>
      %add3A_274 = arith.addi %add3A_228, %reduce_sum3A_273 : i32
      %swap3A_275 = arith.constant 32 : index
      %swap3A_276 = tpu.vector_load %arg15[%swap3A_275] {strides = array<i32>} : memref<64xi32, #tpu.memory_space<vmem>>, vector<16xi32>,
      tpu.vector_store %arg15[%swap3A_275], %div3A_246 {strides = array<i32>} : memref<64xi32, #tpu.memory_space<vmem>>, vector<16xi32>,
      %swap3A_277 = arith.constant 32 : index
      %swap3A_278 = tpu.vector_load %arg16[%swap3A_277] {strides = array<i32>} : memref<64xi32, #tpu.memory_space<vmem>>, vector<16xi32>,
      tpu.vector_store %arg16[%swap3A_277], %add3A_269 {strides = array<i32>} : memref<64xi32, #tpu.memory_space<vmem>>, vector<16xi32>,
      %iota3A_279 = tpu.iota {dimensions = array<i32: 0>} : vector<16xi32>
      %add3A_280 = arith.constant 32 : i32
      %add3A_281 = vector.broadcast %add3A_280 : i32 to vector<16xi32>
      %add3A_282 = arith.addi %iota3A_279, %add3A_281 : vector<16xi32>
      %gt3A_283 = arith.constant 0 : i32
      %gt3A_284 = vector.broadcast %gt3A_283 : i32 to vector<16xi32>
      %gt3A_285 = arith.cmpi sgt, %get3A_243, %gt3A_284 : vector<16xi32>
      tpu.vector_store_idx %arg17[%add3A_269], %add3A_282 masked %gt3A_285 : memref<80xi32, #tpu.memory_space<vmem>>[vector<16xi32>], vector<16xi32>, vector<16xi1>
      %get3A_286 = arith.constant 48 : index
      %get3A_287 = tpu.vector_load %arg13[%get3A_286] {strides = array<i32>} : memref<64xi32, #tpu.memory_space<vmem>>, vector<16xi32>,
      %get3A_288 = arith.constant 48 : index
      %get3A_289 = tpu.vector_load %arg14[%get3A_288] {strides = array<i32>} : memref<64xi32, #tpu.memory_space<vmem>>, vector<16xi32>,
      %div3A_290 = arith.constant 128 : i32
      %div3A_291 = vector.broadcast %div3A_290 : i32 to vector<16xi32>
      %div3A_292 = arith.divsi %get3A_287, %div3A_291 : vector<16xi32>
      %add3A_293 = arith.addi %get3A_287, %get3A_289 : vector<16xi32>
      %sub3A_294 = arith.constant 1 : i32
      %sub3A_295 = vector.broadcast %sub3A_294 : i32 to vector<16xi32>
      %sub3A_296 = arith.subi %add3A_293, %sub3A_295 : vector<16xi32>
      %div3A_297 = arith.constant 128 : i32
      %div3A_298 = vector.broadcast %div3A_297 : i32 to vector<16xi32>
      %div3A_299 = arith.divsi %sub3A_296, %div3A_298 : vector<16xi32>
      %gt3A_300 = arith.constant 0 : i32
      %gt3A_301 = vector.broadcast %gt3A_300 : i32 to vector<16xi32>
      %gt3A_302 = arith.cmpi sgt, %get3A_289, %gt3A_301 : vector<16xi32>
      %sub3A_303 = arith.subi %div3A_299, %div3A_292 : vector<16xi32>
      %add3A_304 = arith.constant 1 : i32
      %add3A_305 = vector.broadcast %add3A_304 : i32 to vector<16xi32>
      %add3A_306 = arith.addi %sub3A_303, %add3A_305 : vector<16xi32>
      %jit3A_307 = arith.constant 0 : i32
      %broadcast_in_dim3A_308 = vector.broadcast %jit3A_307 : i32 to vector<16xi32>
      %select_n3A_309 = arith.select %gt3A_302, %add3A_306, %broadcast_in_dim3A_308 : vector<16xi1>, vector<16xi32>
      %broadcast_in_dim3A_310 = arith.constant true
      %broadcast_in_dim3A_311 = vector.broadcast %broadcast_in_dim3A_310 : i1 to vector<16xi1>
      %masked_cumsum3A_312 = tpu.scan <sum>, %select_n3A_309 masked %broadcast_in_dim3A_311 : vector<16xi32>, vector<16xi1> -> vector<16xi32>
      %sub3A_313 = arith.subi %masked_cumsum3A_312, %select_n3A_309 : vector<16xi32>
      %add3A_314 = vector.broadcast %add3A_274 : i32 to vector<16xi32>
      %add3A_315 = arith.addi %sub3A_313, %add3A_314 : vector<16xi32>
      %reduce_sum3A_316 = arith.constant true
      %reduce_sum3A_317 = vector.broadcast %reduce_sum3A_316 : i1 to vector<16xi1>
      %reduce_sum3A_318 = tpu.scan <sum>, %select_n3A_309 masked %reduce_sum3A_317 : vector<16xi32>, vector<16xi1> -> vector<16xi32>
      %reduce_sum3A_319 = vector.extract %reduce_sum3A_318[15] : i32 from vector<16xi32>
      %add3A_320 = arith.addi %add3A_274, %reduce_sum3A_319 : i32
      %swap3A_321 = arith.constant 48 : index
      %swap3A_322 = tpu.vector_load %arg15[%swap3A_321] {strides = array<i32>} : memref<64xi32, #tpu.memory_space<vmem>>, vector<16xi32>,
      tpu.vector_store %arg15[%swap3A_321], %div3A_292 {strides = array<i32>} : memref<64xi32, #tpu.memory_space<vmem>>, vector<16xi32>,
      %swap3A_323 = arith.constant 48 : index
      %swap3A_324 = tpu.vector_load %arg16[%swap3A_323] {strides = array<i32>} : memref<64xi32, #tpu.memory_space<vmem>>, vector<16xi32>,
      tpu.vector_store %arg16[%swap3A_323], %add3A_315 {strides = array<i32>} : memref<64xi32, #tpu.memory_space<vmem>>, vector<16xi32>,
      %iota3A_325 = tpu.iota {dimensions = array<i32: 0>} : vector<16xi32>
      %add3A_326 = arith.constant 48 : i32
      %add3A_327 = vector.broadcast %add3A_326 : i32 to vector<16xi32>
      %add3A_328 = arith.addi %iota3A_325, %add3A_327 : vector<16xi32>
      %gt3A_329 = arith.constant 0 : i32
      %gt3A_330 = vector.broadcast %gt3A_329 : i32 to vector<16xi32>
      %gt3A_331 = arith.cmpi sgt, %get3A_289, %gt3A_330 : vector<16xi32>
      tpu.vector_store_idx %arg17[%add3A_315], %add3A_328 masked %gt3A_331 : memref<80xi32, #tpu.memory_space<vmem>>[vector<16xi32>], vector<16xi32>, vector<16xi1>
      %get3A_332 = arith.constant 0 : index
      %get3A_333 = tpu.vector_load %arg17[%get3A_332] {strides = array<i32>} : memref<80xi32, #tpu.memory_space<vmem>>, vector<16xi32>,
      %broadcast_in_dim3A_334 = arith.constant true
      %broadcast_in_dim3A_335 = vector.broadcast %broadcast_in_dim3A_334 : i1 to vector<16xi1>
      %masked_cummax3A = arith.constant -2147483648 : i32
      %masked_cummax3A_336 = vector.broadcast %masked_cummax3A : i32 to vector<16xi32>
      %masked_cummax3A_337 = arith.xori %get3A_333, %masked_cummax3A_336 : vector<16xi32>
      %masked_cummax3A_338 = tpu.scan <max>, %masked_cummax3A_337 masked %broadcast_in_dim3A_335 : vector<16xi32>, vector<16xi1> -> vector<16xi32>
      %masked_cummax3A_339 = arith.xori %masked_cummax3A_338, %masked_cummax3A_336 : vector<16xi32>
      %max3A = arith.constant 0 : i32
      %max3A_340 = vector.broadcast %max3A : i32 to vector<16xi32>
      %max3A_341 = arith.maxsi %masked_cummax3A_339, %max3A_340 : vector<16xi32>
      %reduce_max3A = arith.constant true
      %reduce_max3A_342 = vector.broadcast %reduce_max3A : i1 to vector<16xi1>
      %reduce_max3A_343 = arith.constant -2147483648 : i32
      %reduce_max3A_344 = vector.broadcast %reduce_max3A_343 : i32 to vector<16xi32>
      %reduce_max3A_345 = arith.xori %max3A_341, %reduce_max3A_344 : vector<16xi32>
      %reduce_max3A_346 = tpu.scan <max>, %reduce_max3A_345 masked %reduce_max3A_342 : vector<16xi32>, vector<16xi1> -> vector<16xi32>
      %reduce_max3A_347 = arith.xori %reduce_max3A_346, %reduce_max3A_344 : vector<16xi32>
      %reduce_max3A_348 = vector.extract %reduce_max3A_347[15] : i32 from vector<16xi32>
      %iota3A_349 = tpu.iota {dimensions = array<i32: 0>} : vector<16xi32>
      %add3A_350 = arith.constant 0 : i32
      %add3A_351 = vector.broadcast %add3A_350 : i32 to vector<16xi32>
      %add3A_352 = arith.addi %iota3A_349, %add3A_351 : vector<16xi32>
      %gather3A_353 = tpu.vector_load_idx %arg15[%max3A_341] : memref<64xi32, #tpu.memory_space<vmem>>[vector<16xi32>], vector<16xi32>,
      %gather3A_354 = tpu.vector_load_idx %arg16[%max3A_341] : memref<64xi32, #tpu.memory_space<vmem>>[vector<16xi32>], vector<16xi32>,
      %gather3A_355 = tpu.vector_load_idx %arg13[%max3A_341] : memref<64xi32, #tpu.memory_space<vmem>>[vector<16xi32>], vector<16xi32>,
      %gather3A_356 = tpu.vector_load_idx %arg14[%max3A_341] : memref<64xi32, #tpu.memory_space<vmem>>[vector<16xi32>], vector<16xi32>,
      %sub3A_357 = arith.subi %add3A_352, %gather3A_354 : vector<16xi32>
      %add3A_358 = arith.addi %gather3A_353, %sub3A_357 : vector<16xi32>
      %mul3A_359 = arith.constant 128 : i32
      %mul3A_360 = vector.broadcast %mul3A_359 : i32 to vector<16xi32>
      %mul3A_361 = arith.muli %add3A_358, %mul3A_360 : vector<16xi32>
      %max3A_362 = arith.maxsi %gather3A_355, %mul3A_361 : vector<16xi32>
      %add3A_363 = arith.addi %gather3A_355, %gather3A_356 : vector<16xi32>
      %mul3A_364 = arith.constant 128 : i32
      %mul3A_365 = vector.broadcast %mul3A_364 : i32 to vector<16xi32>
      %mul3A_366 = arith.muli %add3A_358, %mul3A_365 : vector<16xi32>
      %add3A_367 = arith.constant 128 : i32
      %add3A_368 = vector.broadcast %add3A_367 : i32 to vector<16xi32>
      %add3A_369 = arith.addi %mul3A_366, %add3A_368 : vector<16xi32>
      %min3A = arith.minsi %add3A_363, %add3A_369 : vector<16xi32>
      %lt3A = vector.broadcast %add3A_320 : i32 to vector<16xi32>
      %lt3A_370 = arith.cmpi slt, %add3A_352, %lt3A : vector<16xi32>
      %jit3A_371 = arith.constant 15 : i32
      %broadcast_in_dim3A_372 = vector.broadcast %jit3A_371 : i32 to vector<16xi32>
      %select_n3A_373 = arith.select %lt3A_370, %add3A_358, %broadcast_in_dim3A_372 : vector<16xi1>, vector<16xi32>
      %jit3A_374 = arith.constant 0 : i32
      %broadcast_in_dim3A_375 = vector.broadcast %jit3A_374 : i32 to vector<16xi32>
      %select_n3A_376 = arith.select %lt3A_370, %max3A_362, %broadcast_in_dim3A_375 : vector<16xi1>, vector<16xi32>
      %jit3A_377 = arith.constant 0 : i32
      %broadcast_in_dim3A_378 = vector.broadcast %jit3A_377 : i32 to vector<16xi32>
      %select_n3A_379 = arith.select %lt3A_370, %min3A, %broadcast_in_dim3A_378 : vector<16xi1>, vector<16xi32>
      %mul3A_380 = arith.constant 128 : i32
      %mul3A_381 = vector.broadcast %mul3A_380 : i32 to vector<16xi32>
      %mul3A_382 = arith.muli %select_n3A_373, %mul3A_381 : vector<16xi32>
      %eq3A_383 = arith.cmpi eq, %select_n3A_376, %mul3A_382 : vector<16xi32>
      %jit3A_384 = arith.constant 1 : i32
      %jit3A_385 = arith.constant 0 : i32
      %broadcast_in_dim3A_386 = vector.broadcast %jit3A_384 : i32 to vector<16xi32>
      %broadcast_in_dim3A_387 = vector.broadcast %jit3A_385 : i32 to vector<16xi32>
      %select_n3A_388 = arith.select %eq3A_383, %broadcast_in_dim3A_386, %broadcast_in_dim3A_387 : vector<16xi1>, vector<16xi32>
      %swap3A_389 = arith.constant 0 : i32
      %swap3A_390 = arith.index_cast %swap3A_389 : i32 to index
      %swap3A_391 = arith.constant 0 : index
      %swap3A_392 = tpu.vector_load %arg18[%swap3A_390, %swap3A_391] {strides = array<i32>} : memref<5x80xi32, #tpu.memory_space<vmem>>, vector<16xi32>,
      tpu.vector_store %arg18[%swap3A_390, %swap3A_391], %select_n3A_373 {strides = array<i32>} : memref<5x80xi32, #tpu.memory_space<vmem>>, vector<16xi32>,
      %jit3A_393 = arith.constant 0 : i32
      %broadcast_in_dim3A_394 = vector.broadcast %jit3A_393 : i32 to vector<16xi32>
      %select_n3A_395 = arith.select %lt3A_370, %max3A_341, %broadcast_in_dim3A_394 : vector<16xi1>, vector<16xi32>
      %swap3A_396 = arith.constant 1 : i32
      %swap3A_397 = arith.index_cast %swap3A_396 : i32 to index
      %swap3A_398 = arith.constant 0 : index
      %swap3A_399 = tpu.vector_load %arg18[%swap3A_397, %swap3A_398] {strides = array<i32>} : memref<5x80xi32, #tpu.memory_space<vmem>>, vector<16xi32>,
      tpu.vector_store %arg18[%swap3A_397, %swap3A_398], %select_n3A_395 {strides = array<i32>} : memref<5x80xi32, #tpu.memory_space<vmem>>, vector<16xi32>,
      %swap3A_400 = arith.constant 2 : i32
      %swap3A_401 = arith.index_cast %swap3A_400 : i32 to index
      %swap3A_402 = arith.constant 0 : index
      %swap3A_403 = tpu.vector_load %arg18[%swap3A_401, %swap3A_402] {strides = array<i32>} : memref<5x80xi32, #tpu.memory_space<vmem>>, vector<16xi32>,
      tpu.vector_store %arg18[%swap3A_401, %swap3A_402], %select_n3A_376 {strides = array<i32>} : memref<5x80xi32, #tpu.memory_space<vmem>>, vector<16xi32>,
      %swap3A_404 = arith.constant 3 : i32
      %swap3A_405 = arith.index_cast %swap3A_404 : i32 to index
      %swap3A_406 = arith.constant 0 : index
      %swap3A_407 = tpu.vector_load %arg18[%swap3A_405, %swap3A_406] {strides = array<i32>} : memref<5x80xi32, #tpu.memory_space<vmem>>, vector<16xi32>,
      tpu.vector_store %arg18[%swap3A_405, %swap3A_406], %select_n3A_379 {strides = array<i32>} : memref<5x80xi32, #tpu.memory_space<vmem>>, vector<16xi32>,
      %swap3A_408 = arith.constant 4 : i32
      %swap3A_409 = arith.index_cast %swap3A_408 : i32 to index
      %swap3A_410 = arith.constant 0 : index
      %swap3A_411 = tpu.vector_load %arg18[%swap3A_409, %swap3A_410] {strides = array<i32>} : memref<5x80xi32, #tpu.memory_space<vmem>>, vector<16xi32>,
      tpu.vector_store %arg18[%swap3A_409, %swap3A_410], %select_n3A_388 {strides = array<i32>} : memref<5x80xi32, #tpu.memory_space<vmem>>, vector<16xi32>,
      %get3A_412 = arith.constant 16 : index
      %get3A_413 = tpu.vector_load %arg17[%get3A_412] {strides = array<i32>} : memref<80xi32, #tpu.memory_space<vmem>>, vector<16xi32>,
      %broadcast_in_dim3A_414 = arith.constant true
      %broadcast_in_dim3A_415 = vector.broadcast %broadcast_in_dim3A_414 : i1 to vector<16xi1>
      %masked_cummax3A_416 = arith.constant -2147483648 : i32
      %masked_cummax3A_417 = vector.broadcast %masked_cummax3A_416 : i32 to vector<16xi32>
      %masked_cummax3A_418 = arith.xori %get3A_413, %masked_cummax3A_417 : vector<16xi32>
      %masked_cummax3A_419 = tpu.scan <max>, %masked_cummax3A_418 masked %broadcast_in_dim3A_415 : vector<16xi32>, vector<16xi1> -> vector<16xi32>
      %masked_cummax3A_420 = arith.xori %masked_cummax3A_419, %masked_cummax3A_417 : vector<16xi32>
      %max3A_421 = vector.broadcast %reduce_max3A_348 : i32 to vector<16xi32>
      %max3A_422 = arith.maxsi %masked_cummax3A_420, %max3A_421 : vector<16xi32>
      %reduce_max3A_423 = arith.constant true
      %reduce_max3A_424 = vector.broadcast %reduce_max3A_423 : i1 to vector<16xi1>
      %reduce_max3A_425 = arith.constant -2147483648 : i32
      %reduce_max3A_426 = vector.broadcast %reduce_max3A_425 : i32 to vector<16xi32>
      %reduce_max3A_427 = arith.xori %max3A_422, %reduce_max3A_426 : vector<16xi32>
      %reduce_max3A_428 = tpu.scan <max>, %reduce_max3A_427 masked %reduce_max3A_424 : vector<16xi32>, vector<16xi1> -> vector<16xi32>
      %reduce_max3A_429 = arith.xori %reduce_max3A_428, %reduce_max3A_426 : vector<16xi32>
      %reduce_max3A_430 = vector.extract %reduce_max3A_429[15] : i32 from vector<16xi32>
      %iota3A_431 = tpu.iota {dimensions = array<i32: 0>} : vector<16xi32>
      %add3A_432 = arith.constant 16 : i32
      %add3A_433 = vector.broadcast %add3A_432 : i32 to vector<16xi32>
      %add3A_434 = arith.addi %iota3A_431, %add3A_433 : vector<16xi32>
      %gather3A_435 = tpu.vector_load_idx %arg15[%max3A_422] : memref<64xi32, #tpu.memory_space<vmem>>[vector<16xi32>], vector<16xi32>,
      %gather3A_436 = tpu.vector_load_idx %arg16[%max3A_422] : memref<64xi32, #tpu.memory_space<vmem>>[vector<16xi32>], vector<16xi32>,
      %gather3A_437 = tpu.vector_load_idx %arg13[%max3A_422] : memref<64xi32, #tpu.memory_space<vmem>>[vector<16xi32>], vector<16xi32>,
      %gather3A_438 = tpu.vector_load_idx %arg14[%max3A_422] : memref<64xi32, #tpu.memory_space<vmem>>[vector<16xi32>], vector<16xi32>,
      %sub3A_439 = arith.subi %add3A_434, %gather3A_436 : vector<16xi32>
      %add3A_440 = arith.addi %gather3A_435, %sub3A_439 : vector<16xi32>
      %mul3A_441 = arith.constant 128 : i32
      %mul3A_442 = vector.broadcast %mul3A_441 : i32 to vector<16xi32>
      %mul3A_443 = arith.muli %add3A_440, %mul3A_442 : vector<16xi32>
      %max3A_444 = arith.maxsi %gather3A_437, %mul3A_443 : vector<16xi32>
      %add3A_445 = arith.addi %gather3A_437, %gather3A_438 : vector<16xi32>
      %mul3A_446 = arith.constant 128 : i32
      %mul3A_447 = vector.broadcast %mul3A_446 : i32 to vector<16xi32>
      %mul3A_448 = arith.muli %add3A_440, %mul3A_447 : vector<16xi32>
      %add3A_449 = arith.constant 128 : i32
      %add3A_450 = vector.broadcast %add3A_449 : i32 to vector<16xi32>
      %add3A_451 = arith.addi %mul3A_448, %add3A_450 : vector<16xi32>
      %min3A_452 = arith.minsi %add3A_445, %add3A_451 : vector<16xi32>
      %lt3A_453 = vector.broadcast %add3A_320 : i32 to vector<16xi32>
      %lt3A_454 = arith.cmpi slt, %add3A_434, %lt3A_453 : vector<16xi32>
      %jit3A_455 = arith.constant 15 : i32
      %broadcast_in_dim3A_456 = vector.broadcast %jit3A_455 : i32 to vector<16xi32>
      %select_n3A_457 = arith.select %lt3A_454, %add3A_440, %broadcast_in_dim3A_456 : vector<16xi1>, vector<16xi32>
      %jit3A_458 = arith.constant 0 : i32
      %broadcast_in_dim3A_459 = vector.broadcast %jit3A_458 : i32 to vector<16xi32>
      %select_n3A_460 = arith.select %lt3A_454, %max3A_444, %broadcast_in_dim3A_459 : vector<16xi1>, vector<16xi32>
      %jit3A_461 = arith.constant 0 : i32
      %broadcast_in_dim3A_462 = vector.broadcast %jit3A_461 : i32 to vector<16xi32>
      %select_n3A_463 = arith.select %lt3A_454, %min3A_452, %broadcast_in_dim3A_462 : vector<16xi1>, vector<16xi32>
      %mul3A_464 = arith.constant 128 : i32
      %mul3A_465 = vector.broadcast %mul3A_464 : i32 to vector<16xi32>
      %mul3A_466 = arith.muli %select_n3A_457, %mul3A_465 : vector<16xi32>
      %eq3A_467 = arith.cmpi eq, %select_n3A_460, %mul3A_466 : vector<16xi32>
      %jit3A_468 = arith.constant 1 : i32
      %jit3A_469 = arith.constant 0 : i32
      %broadcast_in_dim3A_470 = vector.broadcast %jit3A_468 : i32 to vector<16xi32>
      %broadcast_in_dim3A_471 = vector.broadcast %jit3A_469 : i32 to vector<16xi32>
      %select_n3A_472 = arith.select %eq3A_467, %broadcast_in_dim3A_470, %broadcast_in_dim3A_471 : vector<16xi1>, vector<16xi32>
      %swap3A_473 = arith.constant 0 : i32
      %swap3A_474 = arith.index_cast %swap3A_473 : i32 to index
      %swap3A_475 = arith.constant 16 : index
      %swap3A_476 = tpu.vector_load %arg18[%swap3A_474, %swap3A_475] {strides = array<i32>} : memref<5x80xi32, #tpu.memory_space<vmem>>, vector<16xi32>,
      tpu.vector_store %arg18[%swap3A_474, %swap3A_475], %select_n3A_457 {strides = array<i32>} : memref<5x80xi32, #tpu.memory_space<vmem>>, vector<16xi32>,
      %jit3A_477 = arith.constant 0 : i32
      %broadcast_in_dim3A_478 = vector.broadcast %jit3A_477 : i32 to vector<16xi32>
      %select_n3A_479 = arith.select %lt3A_454, %max3A_422, %broadcast_in_dim3A_478 : vector<16xi1>, vector<16xi32>
      %swap3A_480 = arith.constant 1 : i32
      %swap3A_481 = arith.index_cast %swap3A_480 : i32 to index
      %swap3A_482 = arith.constant 16 : index
      %swap3A_483 = tpu.vector_load %arg18[%swap3A_481, %swap3A_482] {strides = array<i32>} : memref<5x80xi32, #tpu.memory_space<vmem>>, vector<16xi32>,
      tpu.vector_store %arg18[%swap3A_481, %swap3A_482], %select_n3A_479 {strides = array<i32>} : memref<5x80xi32, #tpu.memory_space<vmem>>, vector<16xi32>,
      %swap3A_484 = arith.constant 2 : i32
      %swap3A_485 = arith.index_cast %swap3A_484 : i32 to index
      %swap3A_486 = arith.constant 16 : index
      %swap3A_487 = tpu.vector_load %arg18[%swap3A_485, %swap3A_486] {strides = array<i32>} : memref<5x80xi32, #tpu.memory_space<vmem>>, vector<16xi32>,
      tpu.vector_store %arg18[%swap3A_485, %swap3A_486], %select_n3A_460 {strides = array<i32>} : memref<5x80xi32, #tpu.memory_space<vmem>>, vector<16xi32>,
      %swap3A_488 = arith.constant 3 : i32
      %swap3A_489 = arith.index_cast %swap3A_488 : i32 to index
      %swap3A_490 = arith.constant 16 : index
      %swap3A_491 = tpu.vector_load %arg18[%swap3A_489, %swap3A_490] {strides = array<i32>} : memref<5x80xi32, #tpu.memory_space<vmem>>, vector<16xi32>,
      tpu.vector_store %arg18[%swap3A_489, %swap3A_490], %select_n3A_463 {strides = array<i32>} : memref<5x80xi32, #tpu.memory_space<vmem>>, vector<16xi32>,
      %swap3A_492 = arith.constant 4 : i32
      %swap3A_493 = arith.index_cast %swap3A_492 : i32 to index
      %swap3A_494 = arith.constant 16 : index
      %swap3A_495 = tpu.vector_load %arg18[%swap3A_493, %swap3A_494] {strides = array<i32>} : memref<5x80xi32, #tpu.memory_space<vmem>>, vector<16xi32>,
      tpu.vector_store %arg18[%swap3A_493, %swap3A_494], %select_n3A_472 {strides = array<i32>} : memref<5x80xi32, #tpu.memory_space<vmem>>, vector<16xi32>,
      %get3A_496 = arith.constant 32 : index
      %get3A_497 = tpu.vector_load %arg17[%get3A_496] {strides = array<i32>} : memref<80xi32, #tpu.memory_space<vmem>>, vector<16xi32>,
      %broadcast_in_dim3A_498 = arith.constant true
      %broadcast_in_dim3A_499 = vector.broadcast %broadcast_in_dim3A_498 : i1 to vector<16xi1>
      %masked_cummax3A_500 = arith.constant -2147483648 : i32
      %masked_cummax3A_501 = vector.broadcast %masked_cummax3A_500 : i32 to vector<16xi32>
      %masked_cummax3A_502 = arith.xori %get3A_497, %masked_cummax3A_501 : vector<16xi32>
      %masked_cummax3A_503 = tpu.scan <max>, %masked_cummax3A_502 masked %broadcast_in_dim3A_499 : vector<16xi32>, vector<16xi1> -> vector<16xi32>
      %masked_cummax3A_504 = arith.xori %masked_cummax3A_503, %masked_cummax3A_501 : vector<16xi32>
      %max3A_505 = vector.broadcast %reduce_max3A_430 : i32 to vector<16xi32>
      %max3A_506 = arith.maxsi %masked_cummax3A_504, %max3A_505 : vector<16xi32>
      %reduce_max3A_507 = arith.constant true
      %reduce_max3A_508 = vector.broadcast %reduce_max3A_507 : i1 to vector<16xi1>
      %reduce_max3A_509 = arith.constant -2147483648 : i32
      %reduce_max3A_510 = vector.broadcast %reduce_max3A_509 : i32 to vector<16xi32>
      %reduce_max3A_511 = arith.xori %max3A_506, %reduce_max3A_510 : vector<16xi32>
      %reduce_max3A_512 = tpu.scan <max>, %reduce_max3A_511 masked %reduce_max3A_508 : vector<16xi32>, vector<16xi1> -> vector<16xi32>
      %reduce_max3A_513 = arith.xori %reduce_max3A_512, %reduce_max3A_510 : vector<16xi32>
      %reduce_max3A_514 = vector.extract %reduce_max3A_513[15] : i32 from vector<16xi32>
      %iota3A_515 = tpu.iota {dimensions = array<i32: 0>} : vector<16xi32>
      %add3A_516 = arith.constant 32 : i32
      %add3A_517 = vector.broadcast %add3A_516 : i32 to vector<16xi32>
      %add3A_518 = arith.addi %iota3A_515, %add3A_517 : vector<16xi32>
      %gather3A_519 = tpu.vector_load_idx %arg15[%max3A_506] : memref<64xi32, #tpu.memory_space<vmem>>[vector<16xi32>], vector<16xi32>,
      %gather3A_520 = tpu.vector_load_idx %arg16[%max3A_506] : memref<64xi32, #tpu.memory_space<vmem>>[vector<16xi32>], vector<16xi32>,
      %gather3A_521 = tpu.vector_load_idx %arg13[%max3A_506] : memref<64xi32, #tpu.memory_space<vmem>>[vector<16xi32>], vector<16xi32>,
      %gather3A_522 = tpu.vector_load_idx %arg14[%max3A_506] : memref<64xi32, #tpu.memory_space<vmem>>[vector<16xi32>], vector<16xi32>,
      %sub3A_523 = arith.subi %add3A_518, %gather3A_520 : vector<16xi32>
      %add3A_524 = arith.addi %gather3A_519, %sub3A_523 : vector<16xi32>
      %mul3A_525 = arith.constant 128 : i32
      %mul3A_526 = vector.broadcast %mul3A_525 : i32 to vector<16xi32>
      %mul3A_527 = arith.muli %add3A_524, %mul3A_526 : vector<16xi32>
      %max3A_528 = arith.maxsi %gather3A_521, %mul3A_527 : vector<16xi32>
      %add3A_529 = arith.addi %gather3A_521, %gather3A_522 : vector<16xi32>
      %mul3A_530 = arith.constant 128 : i32
      %mul3A_531 = vector.broadcast %mul3A_530 : i32 to vector<16xi32>
      %mul3A_532 = arith.muli %add3A_524, %mul3A_531 : vector<16xi32>
      %add3A_533 = arith.constant 128 : i32
      %add3A_534 = vector.broadcast %add3A_533 : i32 to vector<16xi32>
      %add3A_535 = arith.addi %mul3A_532, %add3A_534 : vector<16xi32>
      %min3A_536 = arith.minsi %add3A_529, %add3A_535 : vector<16xi32>
      %lt3A_537 = vector.broadcast %add3A_320 : i32 to vector<16xi32>
      %lt3A_538 = arith.cmpi slt, %add3A_518, %lt3A_537 : vector<16xi32>
      %jit3A_539 = arith.constant 15 : i32
      %broadcast_in_dim3A_540 = vector.broadcast %jit3A_539 : i32 to vector<16xi32>
      %select_n3A_541 = arith.select %lt3A_538, %add3A_524, %broadcast_in_dim3A_540 : vector<16xi1>, vector<16xi32>
      %jit3A_542 = arith.constant 0 : i32
      %broadcast_in_dim3A_543 = vector.broadcast %jit3A_542 : i32 to vector<16xi32>
      %select_n3A_544 = arith.select %lt3A_538, %max3A_528, %broadcast_in_dim3A_543 : vector<16xi1>, vector<16xi32>
      %jit3A_545 = arith.constant 0 : i32
      %broadcast_in_dim3A_546 = vector.broadcast %jit3A_545 : i32 to vector<16xi32>
      %select_n3A_547 = arith.select %lt3A_538, %min3A_536, %broadcast_in_dim3A_546 : vector<16xi1>, vector<16xi32>
      %mul3A_548 = arith.constant 128 : i32
      %mul3A_549 = vector.broadcast %mul3A_548 : i32 to vector<16xi32>
      %mul3A_550 = arith.muli %select_n3A_541, %mul3A_549 : vector<16xi32>
      %eq3A_551 = arith.cmpi eq, %select_n3A_544, %mul3A_550 : vector<16xi32>
      %jit3A_552 = arith.constant 1 : i32
      %jit3A_553 = arith.constant 0 : i32
      %broadcast_in_dim3A_554 = vector.broadcast %jit3A_552 : i32 to vector<16xi32>
      %broadcast_in_dim3A_555 = vector.broadcast %jit3A_553 : i32 to vector<16xi32>
      %select_n3A_556 = arith.select %eq3A_551, %broadcast_in_dim3A_554, %broadcast_in_dim3A_555 : vector<16xi1>, vector<16xi32>
      %swap3A_557 = arith.constant 0 : i32
      %swap3A_558 = arith.index_cast %swap3A_557 : i32 to index
      %swap3A_559 = arith.constant 32 : index
      %swap3A_560 = tpu.vector_load %arg18[%swap3A_558, %swap3A_559] {strides = array<i32>} : memref<5x80xi32, #tpu.memory_space<vmem>>, vector<16xi32>,
      tpu.vector_store %arg18[%swap3A_558, %swap3A_559], %select_n3A_541 {strides = array<i32>} : memref<5x80xi32, #tpu.memory_space<vmem>>, vector<16xi32>,
      %jit3A_561 = arith.constant 0 : i32
      %broadcast_in_dim3A_562 = vector.broadcast %jit3A_561 : i32 to vector<16xi32>
      %select_n3A_563 = arith.select %lt3A_538, %max3A_506, %broadcast_in_dim3A_562 : vector<16xi1>, vector<16xi32>
      %swap3A_564 = arith.constant 1 : i32
      %swap3A_565 = arith.index_cast %swap3A_564 : i32 to index
      %swap3A_566 = arith.constant 32 : index
      %swap3A_567 = tpu.vector_load %arg18[%swap3A_565, %swap3A_566] {strides = array<i32>} : memref<5x80xi32, #tpu.memory_space<vmem>>, vector<16xi32>,
      tpu.vector_store %arg18[%swap3A_565, %swap3A_566], %select_n3A_563 {strides = array<i32>} : memref<5x80xi32, #tpu.memory_space<vmem>>, vector<16xi32>,
      %swap3A_568 = arith.constant 2 : i32
      %swap3A_569 = arith.index_cast %swap3A_568 : i32 to index
      %swap3A_570 = arith.constant 32 : index
      %swap3A_571 = tpu.vector_load %arg18[%swap3A_569, %swap3A_570] {strides = array<i32>} : memref<5x80xi32, #tpu.memory_space<vmem>>, vector<16xi32>,
      tpu.vector_store %arg18[%swap3A_569, %swap3A_570], %select_n3A_544 {strides = array<i32>} : memref<5x80xi32, #tpu.memory_space<vmem>>, vector<16xi32>,
      %swap3A_572 = arith.constant 3 : i32
      %swap3A_573 = arith.index_cast %swap3A_572 : i32 to index
      %swap3A_574 = arith.constant 32 : index
      %swap3A_575 = tpu.vector_load %arg18[%swap3A_573, %swap3A_574] {strides = array<i32>} : memref<5x80xi32, #tpu.memory_space<vmem>>, vector<16xi32>,
      tpu.vector_store %arg18[%swap3A_573, %swap3A_574], %select_n3A_547 {strides = array<i32>} : memref<5x80xi32, #tpu.memory_space<vmem>>, vector<16xi32>,
      %swap3A_576 = arith.constant 4 : i32
      %swap3A_577 = arith.index_cast %swap3A_576 : i32 to index
      %swap3A_578 = arith.constant 32 : index
      %swap3A_579 = tpu.vector_load %arg18[%swap3A_577, %swap3A_578] {strides = array<i32>} : memref<5x80xi32, #tpu.memory_space<vmem>>, vector<16xi32>,
      tpu.vector_store %arg18[%swap3A_577, %swap3A_578], %select_n3A_556 {strides = array<i32>} : memref<5x80xi32, #tpu.memory_space<vmem>>, vector<16xi32>,
      %get3A_580 = arith.constant 48 : index
      %get3A_581 = tpu.vector_load %arg17[%get3A_580] {strides = array<i32>} : memref<80xi32, #tpu.memory_space<vmem>>, vector<16xi32>,
      %broadcast_in_dim3A_582 = arith.constant true
      %broadcast_in_dim3A_583 = vector.broadcast %broadcast_in_dim3A_582 : i1 to vector<16xi1>
      %masked_cummax3A_584 = arith.constant -2147483648 : i32
      %masked_cummax3A_585 = vector.broadcast %masked_cummax3A_584 : i32 to vector<16xi32>
      %masked_cummax3A_586 = arith.xori %get3A_581, %masked_cummax3A_585 : vector<16xi32>
      %masked_cummax3A_587 = tpu.scan <max>, %masked_cummax3A_586 masked %broadcast_in_dim3A_583 : vector<16xi32>, vector<16xi1> -> vector<16xi32>
      %masked_cummax3A_588 = arith.xori %masked_cummax3A_587, %masked_cummax3A_585 : vector<16xi32>
      %max3A_589 = vector.broadcast %reduce_max3A_514 : i32 to vector<16xi32>
      %max3A_590 = arith.maxsi %masked_cummax3A_588, %max3A_589 : vector<16xi32>
      %reduce_max3A_591 = arith.constant true
      %reduce_max3A_592 = vector.broadcast %reduce_max3A_591 : i1 to vector<16xi1>
      %reduce_max3A_593 = arith.constant -2147483648 : i32
      %reduce_max3A_594 = vector.broadcast %reduce_max3A_593 : i32 to vector<16xi32>
      %reduce_max3A_595 = arith.xori %max3A_590, %reduce_max3A_594 : vector<16xi32>
      %reduce_max3A_596 = tpu.scan <max>, %reduce_max3A_595 masked %reduce_max3A_592 : vector<16xi32>, vector<16xi1> -> vector<16xi32>
      %reduce_max3A_597 = arith.xori %reduce_max3A_596, %reduce_max3A_594 : vector<16xi32>
      %reduce_max3A_598 = vector.extract %reduce_max3A_597[15] : i32 from vector<16xi32>
      %iota3A_599 = tpu.iota {dimensions = array<i32: 0>} : vector<16xi32>
      %add3A_600 = arith.constant 48 : i32
      %add3A_601 = vector.broadcast %add3A_600 : i32 to vector<16xi32>
      %add3A_602 = arith.addi %iota3A_599, %add3A_601 : vector<16xi32>
      %gather3A_603 = tpu.vector_load_idx %arg15[%max3A_590] : memref<64xi32, #tpu.memory_space<vmem>>[vector<16xi32>], vector<16xi32>,
      %gather3A_604 = tpu.vector_load_idx %arg16[%max3A_590] : memref<64xi32, #tpu.memory_space<vmem>>[vector<16xi32>], vector<16xi32>,
      %gather3A_605 = tpu.vector_load_idx %arg13[%max3A_590] : memref<64xi32, #tpu.memory_space<vmem>>[vector<16xi32>], vector<16xi32>,
      %gather3A_606 = tpu.vector_load_idx %arg14[%max3A_590] : memref<64xi32, #tpu.memory_space<vmem>>[vector<16xi32>], vector<16xi32>,
      %sub3A_607 = arith.subi %add3A_602, %gather3A_604 : vector<16xi32>
      %add3A_608 = arith.addi %gather3A_603, %sub3A_607 : vector<16xi32>
      %mul3A_609 = arith.constant 128 : i32
      %mul3A_610 = vector.broadcast %mul3A_609 : i32 to vector<16xi32>
      %mul3A_611 = arith.muli %add3A_608, %mul3A_610 : vector<16xi32>
      %max3A_612 = arith.maxsi %gather3A_605, %mul3A_611 : vector<16xi32>
      %add3A_613 = arith.addi %gather3A_605, %gather3A_606 : vector<16xi32>
      %mul3A_614 = arith.constant 128 : i32
      %mul3A_615 = vector.broadcast %mul3A_614 : i32 to vector<16xi32>
      %mul3A_616 = arith.muli %add3A_608, %mul3A_615 : vector<16xi32>
      %add3A_617 = arith.constant 128 : i32
      %add3A_618 = vector.broadcast %add3A_617 : i32 to vector<16xi32>
      %add3A_619 = arith.addi %mul3A_616, %add3A_618 : vector<16xi32>
      %min3A_620 = arith.minsi %add3A_613, %add3A_619 : vector<16xi32>
      %lt3A_621 = vector.broadcast %add3A_320 : i32 to vector<16xi32>
      %lt3A_622 = arith.cmpi slt, %add3A_602, %lt3A_621 : vector<16xi32>
      %jit3A_623 = arith.constant 15 : i32
      %broadcast_in_dim3A_624 = vector.broadcast %jit3A_623 : i32 to vector<16xi32>
      %select_n3A_625 = arith.select %lt3A_622, %add3A_608, %broadcast_in_dim3A_624 : vector<16xi1>, vector<16xi32>
      %jit3A_626 = arith.constant 0 : i32
      %broadcast_in_dim3A_627 = vector.broadcast %jit3A_626 : i32 to vector<16xi32>
      %select_n3A_628 = arith.select %lt3A_622, %max3A_612, %broadcast_in_dim3A_627 : vector<16xi1>, vector<16xi32>
      %jit3A_629 = arith.constant 0 : i32
      %broadcast_in_dim3A_630 = vector.broadcast %jit3A_629 : i32 to vector<16xi32>
      %select_n3A_631 = arith.select %lt3A_622, %min3A_620, %broadcast_in_dim3A_630 : vector<16xi1>, vector<16xi32>
      %mul3A_632 = arith.constant 128 : i32
      %mul3A_633 = vector.broadcast %mul3A_632 : i32 to vector<16xi32>
      %mul3A_634 = arith.muli %select_n3A_625, %mul3A_633 : vector<16xi32>
      %eq3A_635 = arith.cmpi eq, %select_n3A_628, %mul3A_634 : vector<16xi32>
      %jit3A_636 = arith.constant 1 : i32
      %jit3A_637 = arith.constant 0 : i32
      %broadcast_in_dim3A_638 = vector.broadcast %jit3A_636 : i32 to vector<16xi32>
      %broadcast_in_dim3A_639 = vector.broadcast %jit3A_637 : i32 to vector<16xi32>
      %select_n3A_640 = arith.select %eq3A_635, %broadcast_in_dim3A_638, %broadcast_in_dim3A_639 : vector<16xi1>, vector<16xi32>
      %swap3A_641 = arith.constant 0 : i32
      %swap3A_642 = arith.index_cast %swap3A_641 : i32 to index
      %swap3A_643 = arith.constant 48 : index
      %swap3A_644 = tpu.vector_load %arg18[%swap3A_642, %swap3A_643] {strides = array<i32>} : memref<5x80xi32, #tpu.memory_space<vmem>>, vector<16xi32>,
      tpu.vector_store %arg18[%swap3A_642, %swap3A_643], %select_n3A_625 {strides = array<i32>} : memref<5x80xi32, #tpu.memory_space<vmem>>, vector<16xi32>,
      %jit3A_645 = arith.constant 0 : i32
      %broadcast_in_dim3A_646 = vector.broadcast %jit3A_645 : i32 to vector<16xi32>
      %select_n3A_647 = arith.select %lt3A_622, %max3A_590, %broadcast_in_dim3A_646 : vector<16xi1>, vector<16xi32>
      %swap3A_648 = arith.constant 1 : i32
      %swap3A_649 = arith.index_cast %swap3A_648 : i32 to index
      %swap3A_650 = arith.constant 48 : index
      %swap3A_651 = tpu.vector_load %arg18[%swap3A_649, %swap3A_650] {strides = array<i32>} : memref<5x80xi32, #tpu.memory_space<vmem>>, vector<16xi32>,
      tpu.vector_store %arg18[%swap3A_649, %swap3A_650], %select_n3A_647 {strides = array<i32>} : memref<5x80xi32, #tpu.memory_space<vmem>>, vector<16xi32>,
      %swap3A_652 = arith.constant 2 : i32
      %swap3A_653 = arith.index_cast %swap3A_652 : i32 to index
      %swap3A_654 = arith.constant 48 : index
      %swap3A_655 = tpu.vector_load %arg18[%swap3A_653, %swap3A_654] {strides = array<i32>} : memref<5x80xi32, #tpu.memory_space<vmem>>, vector<16xi32>,
      tpu.vector_store %arg18[%swap3A_653, %swap3A_654], %select_n3A_628 {strides = array<i32>} : memref<5x80xi32, #tpu.memory_space<vmem>>, vector<16xi32>,
      %swap3A_656 = arith.constant 3 : i32
      %swap3A_657 = arith.index_cast %swap3A_656 : i32 to index
      %swap3A_658 = arith.constant 48 : index
      %swap3A_659 = tpu.vector_load %arg18[%swap3A_657, %swap3A_658] {strides = array<i32>} : memref<5x80xi32, #tpu.memory_space<vmem>>, vector<16xi32>,
      tpu.vector_store %arg18[%swap3A_657, %swap3A_658], %select_n3A_631 {strides = array<i32>} : memref<5x80xi32, #tpu.memory_space<vmem>>, vector<16xi32>,
      %swap3A_660 = arith.constant 4 : i32
      %swap3A_661 = arith.index_cast %swap3A_660 : i32 to index
      %swap3A_662 = arith.constant 48 : index
      %swap3A_663 = tpu.vector_load %arg18[%swap3A_661, %swap3A_662] {strides = array<i32>} : memref<5x80xi32, #tpu.memory_space<vmem>>, vector<16xi32>,
      tpu.vector_store %arg18[%swap3A_661, %swap3A_662], %select_n3A_640 {strides = array<i32>} : memref<5x80xi32, #tpu.memory_space<vmem>>, vector<16xi32>,
      %get3A_664 = arith.constant 64 : index
      %get3A_665 = tpu.vector_load %arg17[%get3A_664] {strides = array<i32>} : memref<80xi32, #tpu.memory_space<vmem>>, vector<16xi32>,
      %broadcast_in_dim3A_666 = arith.constant true
      %broadcast_in_dim3A_667 = vector.broadcast %broadcast_in_dim3A_666 : i1 to vector<16xi1>
      %masked_cummax3A_668 = arith.constant -2147483648 : i32
      %masked_cummax3A_669 = vector.broadcast %masked_cummax3A_668 : i32 to vector<16xi32>
      %masked_cummax3A_670 = arith.xori %get3A_665, %masked_cummax3A_669 : vector<16xi32>
      %masked_cummax3A_671 = tpu.scan <max>, %masked_cummax3A_670 masked %broadcast_in_dim3A_667 : vector<16xi32>, vector<16xi1> -> vector<16xi32>
      %masked_cummax3A_672 = arith.xori %masked_cummax3A_671, %masked_cummax3A_669 : vector<16xi32>
      %max3A_673 = vector.broadcast %reduce_max3A_598 : i32 to vector<16xi32>
      %max3A_674 = arith.maxsi %masked_cummax3A_672, %max3A_673 : vector<16xi32>
      %reduce_max3A_675 = arith.constant true
      %reduce_max3A_676 = vector.broadcast %reduce_max3A_675 : i1 to vector<16xi1>
      %reduce_max3A_677 = arith.constant -2147483648 : i32
      %reduce_max3A_678 = vector.broadcast %reduce_max3A_677 : i32 to vector<16xi32>
      %reduce_max3A_679 = arith.xori %max3A_674, %reduce_max3A_678 : vector<16xi32>
      %reduce_max3A_680 = tpu.scan <max>, %reduce_max3A_679 masked %reduce_max3A_676 : vector<16xi32>, vector<16xi1> -> vector<16xi32>
      %reduce_max3A_681 = arith.xori %reduce_max3A_680, %reduce_max3A_678 : vector<16xi32>
      %reduce_max3A_682 = vector.extract %reduce_max3A_681[15] : i32 from vector<16xi32>
      %iota3A_683 = tpu.iota {dimensions = array<i32: 0>} : vector<16xi32>
      %add3A_684 = arith.constant 64 : i32
      %add3A_685 = vector.broadcast %add3A_684 : i32 to vector<16xi32>
      %add3A_686 = arith.addi %iota3A_683, %add3A_685 : vector<16xi32>
      %gather3A_687 = tpu.vector_load_idx %arg15[%max3A_674] : memref<64xi32, #tpu.memory_space<vmem>>[vector<16xi32>], vector<16xi32>,
      %gather3A_688 = tpu.vector_load_idx %arg16[%max3A_674] : memref<64xi32, #tpu.memory_space<vmem>>[vector<16xi32>], vector<16xi32>,
      %gather3A_689 = tpu.vector_load_idx %arg13[%max3A_674] : memref<64xi32, #tpu.memory_space<vmem>>[vector<16xi32>], vector<16xi32>,
      %gather3A_690 = tpu.vector_load_idx %arg14[%max3A_674] : memref<64xi32, #tpu.memory_space<vmem>>[vector<16xi32>], vector<16xi32>,
      %sub3A_691 = arith.subi %add3A_686, %gather3A_688 : vector<16xi32>
      %add3A_692 = arith.addi %gather3A_687, %sub3A_691 : vector<16xi32>
      %mul3A_693 = arith.constant 128 : i32
      %mul3A_694 = vector.broadcast %mul3A_693 : i32 to vector<16xi32>
      %mul3A_695 = arith.muli %add3A_692, %mul3A_694 : vector<16xi32>
      %max3A_696 = arith.maxsi %gather3A_689, %mul3A_695 : vector<16xi32>
      %add3A_697 = arith.addi %gather3A_689, %gather3A_690 : vector<16xi32>
      %mul3A_698 = arith.constant 128 : i32
      %mul3A_699 = vector.broadcast %mul3A_698 : i32 to vector<16xi32>
      %mul3A_700 = arith.muli %add3A_692, %mul3A_699 : vector<16xi32>
      %add3A_701 = arith.constant 128 : i32
      %add3A_702 = vector.broadcast %add3A_701 : i32 to vector<16xi32>
      %add3A_703 = arith.addi %mul3A_700, %add3A_702 : vector<16xi32>
      %min3A_704 = arith.minsi %add3A_697, %add3A_703 : vector<16xi32>
      %lt3A_705 = vector.broadcast %add3A_320 : i32 to vector<16xi32>
      %lt3A_706 = arith.cmpi slt, %add3A_686, %lt3A_705 : vector<16xi32>
      %jit3A_707 = arith.constant 15 : i32
      %broadcast_in_dim3A_708 = vector.broadcast %jit3A_707 : i32 to vector<16xi32>
      %select_n3A_709 = arith.select %lt3A_706, %add3A_692, %broadcast_in_dim3A_708 : vector<16xi1>, vector<16xi32>
      %jit3A_710 = arith.constant 0 : i32
      %broadcast_in_dim3A_711 = vector.broadcast %jit3A_710 : i32 to vector<16xi32>
      %select_n3A_712 = arith.select %lt3A_706, %max3A_696, %broadcast_in_dim3A_711 : vector<16xi1>, vector<16xi32>
      %jit3A_713 = arith.constant 0 : i32
      %broadcast_in_dim3A_714 = vector.broadcast %jit3A_713 : i32 to vector<16xi32>
      %select_n3A_715 = arith.select %lt3A_706, %min3A_704, %broadcast_in_dim3A_714 : vector<16xi1>, vector<16xi32>
      %mul3A_716 = arith.constant 128 : i32
      %mul3A_717 = vector.broadcast %mul3A_716 : i32 to vector<16xi32>
      %mul3A_718 = arith.muli %select_n3A_709, %mul3A_717 : vector<16xi32>
      %eq3A_719 = arith.cmpi eq, %select_n3A_712, %mul3A_718 : vector<16xi32>
      %jit3A_720 = arith.constant 1 : i32
      %jit3A_721 = arith.constant 0 : i32
      %broadcast_in_dim3A_722 = vector.broadcast %jit3A_720 : i32 to vector<16xi32>
      %broadcast_in_dim3A_723 = vector.broadcast %jit3A_721 : i32 to vector<16xi32>
      %select_n3A_724 = arith.select %eq3A_719, %broadcast_in_dim3A_722, %broadcast_in_dim3A_723 : vector<16xi1>, vector<16xi32>
      %swap3A_725 = arith.constant 0 : i32
      %swap3A_726 = arith.index_cast %swap3A_725 : i32 to index
      %swap3A_727 = arith.constant 64 : index
      %swap3A_728 = tpu.vector_load %arg18[%swap3A_726, %swap3A_727] {strides = array<i32>} : memref<5x80xi32, #tpu.memory_space<vmem>>, vector<16xi32>,
      tpu.vector_store %arg18[%swap3A_726, %swap3A_727], %select_n3A_709 {strides = array<i32>} : memref<5x80xi32, #tpu.memory_space<vmem>>, vector<16xi32>,
      %jit3A_729 = arith.constant 0 : i32
      %broadcast_in_dim3A_730 = vector.broadcast %jit3A_729 : i32 to vector<16xi32>
      %select_n3A_731 = arith.select %lt3A_706, %max3A_674, %broadcast_in_dim3A_730 : vector<16xi1>, vector<16xi32>
      %swap3A_732 = arith.constant 1 : i32
      %swap3A_733 = arith.index_cast %swap3A_732 : i32 to index
      %swap3A_734 = arith.constant 64 : index
      %swap3A_735 = tpu.vector_load %arg18[%swap3A_733, %swap3A_734] {strides = array<i32>} : memref<5x80xi32, #tpu.memory_space<vmem>>, vector<16xi32>,
      tpu.vector_store %arg18[%swap3A_733, %swap3A_734], %select_n3A_731 {strides = array<i32>} : memref<5x80xi32, #tpu.memory_space<vmem>>, vector<16xi32>,
      %swap3A_736 = arith.constant 2 : i32
      %swap3A_737 = arith.index_cast %swap3A_736 : i32 to index
      %swap3A_738 = arith.constant 64 : index
      %swap3A_739 = tpu.vector_load %arg18[%swap3A_737, %swap3A_738] {strides = array<i32>} : memref<5x80xi32, #tpu.memory_space<vmem>>, vector<16xi32>,
      tpu.vector_store %arg18[%swap3A_737, %swap3A_738], %select_n3A_712 {strides = array<i32>} : memref<5x80xi32, #tpu.memory_space<vmem>>, vector<16xi32>,
      %swap3A_740 = arith.constant 3 : i32
      %swap3A_741 = arith.index_cast %swap3A_740 : i32 to index
      %swap3A_742 = arith.constant 64 : index
      %swap3A_743 = tpu.vector_load %arg18[%swap3A_741, %swap3A_742] {strides = array<i32>} : memref<5x80xi32, #tpu.memory_space<vmem>>, vector<16xi32>,
      tpu.vector_store %arg18[%swap3A_741, %swap3A_742], %select_n3A_715 {strides = array<i32>} : memref<5x80xi32, #tpu.memory_space<vmem>>, vector<16xi32>,
      %swap3A_744 = arith.constant 4 : i32
      %swap3A_745 = arith.index_cast %swap3A_744 : i32 to index
      %swap3A_746 = arith.constant 64 : index
      %swap3A_747 = tpu.vector_load %arg18[%swap3A_745, %swap3A_746] {strides = array<i32>} : memref<5x80xi32, #tpu.memory_space<vmem>>, vector<16xi32>,
      tpu.vector_store %arg18[%swap3A_745, %swap3A_746], %select_n3A_724 {strides = array<i32>} : memref<5x80xi32, #tpu.memory_space<vmem>>, vector<16xi32>,
      "tpu.region"() ({
        %run_scoped3A = tpu.sem_alloc : memref<!tpu.dma_semaphore, #tpu.memory_space<semaphore_mem>>
        tpu.enqueue_dma source(%arg18 : memref<5x80xi32, #tpu.memory_space<vmem>>) target(%arg8 : memref<5x80xi32, #tpu.memory_space<hbm>>) target_semaphore(%run_scoped3A : memref<!tpu.dma_semaphore, #tpu.memory_space<semaphore_mem>>)
        tpu.wait_dma2 semaphore(%run_scoped3A : memref<!tpu.dma_semaphore, #tpu.memory_space<semaphore_mem>>) src(%arg18 : memref<5x80xi32, #tpu.memory_space<vmem>>) dst(%arg8 : memref<5x80xi32, #tpu.memory_space<hbm>>)
        tpu.yield
      }) : () -> ()
    } else {
    }
    %dma_wait3A = arith.constant 0 : i32
    %dma_wait3A_130 = tpu.memref_slice %arg2[%mul3A_2, %dma_wait3A] : memref<2048x768xf32, #tpu.memory_space<hbm>> -> memref<64x768xf32, #tpu.memory_space<hbm>>
    %dma_wait3A_131 = arith.constant 0 : i32
    %dma_wait3A_132 = tpu.memref_slice %arg2[%mul3A_2, %dma_wait3A_131] : memref<2048x768xf32, #tpu.memory_space<hbm>> -> memref<64x768xf32, #tpu.memory_space<hbm>>
    tpu.wait_dma2 semaphore(%arg20 : memref<!tpu.dma_semaphore, #tpu.memory_space<semaphore_mem>>) src(%dma_wait3A_132 : memref<64x768xf32, #tpu.memory_space<hbm>>) dst(%arg19 : memref<64x768xf32, #tpu.memory_space<vmem>>)
    %dma_start3A_133 = arith.constant 0 : i32
    %dma_start3A_134 = arith.constant 0 : i32
    %dma_start3A_135 = tpu.memref_slice %arg6[%dma_start3A_133, %dma_start3A_134] : memref<2048x768xf32, #tpu.memory_space<hbm>> -> memref<2048x768xf32, #tpu.memory_space<hbm>>
    tpu.enqueue_indirect_dma source(%arg19 : memref<64x768xf32, #tpu.memory_space<vmem>>) target(%dma_start3A_135 : memref<2048x768xf32, #tpu.memory_space<hbm>>) offsets(%arg12 : memref<64xi32, #tpu.memory_space<vmem>>) semaphore(%arg20 : memref<!tpu.dma_semaphore, #tpu.memory_space<semaphore_mem>>)
    %dma_wait3A_136 = arith.constant 0 : i32
    %dma_wait3A_137 = arith.constant 0 : i32
    %dma_wait3A_138 = tpu.memref_slice %arg6[%dma_wait3A_136, %dma_wait3A_137] : memref<2048x768xf32, #tpu.memory_space<hbm>> -> memref<2048x768xf32, #tpu.memory_space<hbm>>
    tpu.wait_indirect_dma semaphore(%arg20 : memref<!tpu.dma_semaphore, #tpu.memory_space<semaphore_mem>>) src(%arg19 : memref<64x768xf32, #tpu.memory_space<vmem>>) dst(%dma_wait3A_138 : memref<2048x768xf32, #tpu.memory_space<hbm>>)
    return
  }
}

#map = affine_map<(d0, d1) -> (0)>
#map1 = affine_map<(d0, d1) -> (0, 0)>
module attributes {stable_mosaic.version = 14 : i64} {
  func.func @_sc_hist_body(%arg0: i32, %arg1: i32, %arg2: memref<2048xi32, #tpu.memory_space<hbm>>, %arg3: memref<32x64xi32, #tpu.memory_space<hbm>>, %arg4: memref<2048xi32, #tpu.memory_space<hbm>>, %arg5: memref<64xi32, #tpu.memory_space<vmem>>, %arg6: memref<64xi32, #tpu.memory_space<vmem>>, %arg7: memref<64xi32, #tpu.memory_space<vmem>>) attributes {dimension_semantics = [#tpu.dimension_semantics<core_parallel>, #tpu.dimension_semantics<subcore_parallel>], iteration_bounds = array<i64: 2, 16>, scalar_prefetch = 0 : i64, scratch_operands = 3 : i64, tpu.core_type = #tpu.core_type<sc_vector_subcore>, window_params = [{transform_indices = #map}, {transform_indices = #map1}, {transform_indices = #map}]} {
    %mul3A = arith.constant 2 : i32
    %mul3A_0 = arith.muli %arg1, %mul3A : i32
    %add3A = arith.addi %mul3A_0, %arg0 : i32
    %mul3A_1 = arith.constant 64 : i32
    %mul3A_2 = arith.muli %add3A, %mul3A_1 : i32
    "tpu.region"() ({
      %run_scoped3A = tpu.sem_alloc : memref<!tpu.dma_semaphore, #tpu.memory_space<semaphore_mem>>
      %dma_start3A = tpu.memref_slice %arg2[%mul3A_2] : memref<2048xi32, #tpu.memory_space<hbm>> -> memref<64xi32, #tpu.memory_space<hbm>>
      %dma_start3A_18 = tpu.memref_slice %arg2[%mul3A_2] : memref<2048xi32, #tpu.memory_space<hbm>> -> memref<64xi32, #tpu.memory_space<hbm>>
      tpu.enqueue_dma source(%dma_start3A_18 : memref<64xi32, #tpu.memory_space<hbm>>) target(%arg5 : memref<64xi32, #tpu.memory_space<vmem>>) target_semaphore(%run_scoped3A : memref<!tpu.dma_semaphore, #tpu.memory_space<semaphore_mem>>)
      %dma_wait3A = tpu.memref_slice %arg2[%mul3A_2] : memref<2048xi32, #tpu.memory_space<hbm>> -> memref<64xi32, #tpu.memory_space<hbm>>
      %dma_wait3A_19 = tpu.memref_slice %arg2[%mul3A_2] : memref<2048xi32, #tpu.memory_space<hbm>> -> memref<64xi32, #tpu.memory_space<hbm>>
      tpu.wait_dma2 semaphore(%run_scoped3A : memref<!tpu.dma_semaphore, #tpu.memory_space<semaphore_mem>>) src(%dma_wait3A_19 : memref<64xi32, #tpu.memory_space<hbm>>) dst(%arg5 : memref<64xi32, #tpu.memory_space<vmem>>)
      tpu.yield
    }) : () -> ()
    %broadcast_in_dim3A = arith.constant 0 : i32
    %broadcast_in_dim3A_3 = vector.broadcast %broadcast_in_dim3A : i32 to vector<16xi32>
    %swap3A = arith.constant 0 : index
    %swap3A_4 = tpu.vector_load %arg6[%swap3A] {strides = array<i32>} : memref<64xi32, #tpu.memory_space<vmem>>, vector<16xi32>,
    tpu.vector_store %arg6[%swap3A], %broadcast_in_dim3A_3 {strides = array<i32>} : memref<64xi32, #tpu.memory_space<vmem>>, vector<16xi32>,
    %swap3A_5 = arith.constant 16 : index
    %swap3A_6 = tpu.vector_load %arg6[%swap3A_5] {strides = array<i32>} : memref<64xi32, #tpu.memory_space<vmem>>, vector<16xi32>,
    tpu.vector_store %arg6[%swap3A_5], %broadcast_in_dim3A_3 {strides = array<i32>} : memref<64xi32, #tpu.memory_space<vmem>>, vector<16xi32>,
    %swap3A_7 = arith.constant 32 : index
    %swap3A_8 = tpu.vector_load %arg6[%swap3A_7] {strides = array<i32>} : memref<64xi32, #tpu.memory_space<vmem>>, vector<16xi32>,
    tpu.vector_store %arg6[%swap3A_7], %broadcast_in_dim3A_3 {strides = array<i32>} : memref<64xi32, #tpu.memory_space<vmem>>, vector<16xi32>,
    %swap3A_9 = arith.constant 48 : index
    %swap3A_10 = tpu.vector_load %arg6[%swap3A_9] {strides = array<i32>} : memref<64xi32, #tpu.memory_space<vmem>>, vector<16xi32>,
    tpu.vector_store %arg6[%swap3A_9], %broadcast_in_dim3A_3 {strides = array<i32>} : memref<64xi32, #tpu.memory_space<vmem>>, vector<16xi32>,
    %iota3A = tpu.iota {dimensions = array<i32: 0>} : vector<16xi32>
    %eq3A = arith.constant 0 : i32
    %eq3A_11 = vector.broadcast %eq3A : i32 to vector<16xi32>
    %eq3A_12 = arith.cmpi eq, %iota3A, %eq3A_11 : vector<16xi32>
    %scan3A = arith.constant 0 : i32
    %scan3A_13 = arith.constant 0 : i32
    %scan3A_14 = arith.constant 64 : i32
    %scan3A_15 = arith.addi %scan3A_13, %scan3A_14 : i32
    %scan3A_16 = arith.constant 1 : i32
    scf.for %scan3A_18 = %scan3A_13 to %scan3A_15 step %scan3A_16  : i32 {
      %broadcast_in_dim3A_19 = vector.broadcast %scan3A_18 : i32 to vector<16xi32>
      %gather3A = tpu.vector_load_idx %arg5[%broadcast_in_dim3A_19] : memref<64xi32, #tpu.memory_space<vmem>>[vector<16xi32>], vector<16xi32>,
      %gather3A_20 = tpu.vector_load_idx %arg6[%gather3A] : memref<64xi32, #tpu.memory_space<vmem>>[vector<16xi32>], vector<16xi32>,
      %broadcast_in_dim3A_21 = vector.broadcast %scan3A_18 : i32 to vector<16xi32>
      tpu.vector_store_idx %arg7[%broadcast_in_dim3A_21], %gather3A_20 masked %eq3A_12 : memref<64xi32, #tpu.memory_space<vmem>>[vector<16xi32>], vector<16xi32>, vector<16xi1>
      %add3A_22 = arith.constant 1 : i32
      %add3A_23 = vector.broadcast %add3A_22 : i32 to vector<16xi32>
      %add3A_24 = arith.addi %gather3A_20, %add3A_23 : vector<16xi32>
      tpu.vector_store_idx %arg6[%gather3A], %add3A_24 masked %eq3A_12 : memref<64xi32, #tpu.memory_space<vmem>>[vector<16xi32>], vector<16xi32>, vector<16xi1>
    }
    %scan3A_17 = arith.constant 64 : i32
    "tpu.region"() ({
      %run_scoped3A = tpu.sem_alloc : memref<!tpu.dma_semaphore, #tpu.memory_space<semaphore_mem>>
      %dma_start3A = arith.constant 0 : i32
      %dma_start3A_18 = tpu.memref_slice %arg3[%add3A, %dma_start3A] : memref<32x64xi32, #tpu.memory_space<hbm>> -> memref<1x64xi32, #tpu.memory_space<hbm>>
      %dma_start3A_19 = tpu.memref_squeeze %dma_start3A_18 : memref<1x64xi32, #tpu.memory_space<hbm>> -> memref<64xi32, #tpu.memory_space<hbm>>
      %dma_start3A_20 = arith.constant 0 : i32
      %dma_start3A_21 = tpu.memref_slice %arg3[%add3A, %dma_start3A_20] : memref<32x64xi32, #tpu.memory_space<hbm>> -> memref<1x64xi32, #tpu.memory_space<hbm>>
      %dma_start3A_22 = tpu.memref_squeeze %dma_start3A_21 : memref<1x64xi32, #tpu.memory_space<hbm>> -> memref<64xi32, #tpu.memory_space<hbm>>
      tpu.enqueue_dma source(%arg6 : memref<64xi32, #tpu.memory_space<vmem>>) target(%dma_start3A_22 : memref<64xi32, #tpu.memory_space<hbm>>) target_semaphore(%run_scoped3A : memref<!tpu.dma_semaphore, #tpu.memory_space<semaphore_mem>>)
      %dma_wait3A = arith.constant 0 : i32
      %dma_wait3A_23 = tpu.memref_slice %arg3[%add3A, %dma_wait3A] : memref<32x64xi32, #tpu.memory_space<hbm>> -> memref<1x64xi32, #tpu.memory_space<hbm>>
      %dma_wait3A_24 = tpu.memref_squeeze %dma_wait3A_23 : memref<1x64xi32, #tpu.memory_space<hbm>> -> memref<64xi32, #tpu.memory_space<hbm>>
      %dma_wait3A_25 = arith.constant 0 : i32
      %dma_wait3A_26 = tpu.memref_slice %arg3[%add3A, %dma_wait3A_25] : memref<32x64xi32, #tpu.memory_space<hbm>> -> memref<1x64xi32, #tpu.memory_space<hbm>>
      %dma_wait3A_27 = tpu.memref_squeeze %dma_wait3A_26 : memref<1x64xi32, #tpu.memory_space<hbm>> -> memref<64xi32, #tpu.memory_space<hbm>>
      tpu.wait_dma2 semaphore(%run_scoped3A : memref<!tpu.dma_semaphore, #tpu.memory_space<semaphore_mem>>) src(%arg6 : memref<64xi32, #tpu.memory_space<vmem>>) dst(%dma_wait3A_27 : memref<64xi32, #tpu.memory_space<hbm>>)
      tpu.yield
    }) : () -> ()
    "tpu.region"() ({
      %run_scoped3A = tpu.sem_alloc : memref<!tpu.dma_semaphore, #tpu.memory_space<semaphore_mem>>
      %dma_start3A = tpu.memref_slice %arg4[%mul3A_2] : memref<2048xi32, #tpu.memory_space<hbm>> -> memref<64xi32, #tpu.memory_space<hbm>>
      %dma_start3A_18 = tpu.memref_slice %arg4[%mul3A_2] : memref<2048xi32, #tpu.memory_space<hbm>> -> memref<64xi32, #tpu.memory_space<hbm>>
      tpu.enqueue_dma source(%arg7 : memref<64xi32, #tpu.memory_space<vmem>>) target(%dma_start3A_18 : memref<64xi32, #tpu.memory_space<hbm>>) target_semaphore(%run_scoped3A : memref<!tpu.dma_semaphore, #tpu.memory_space<semaphore_mem>>)
      %dma_wait3A = tpu.memref_slice %arg4[%mul3A_2] : memref<2048xi32, #tpu.memory_space<hbm>> -> memref<64xi32, #tpu.memory_space<hbm>>
      %dma_wait3A_19 = tpu.memref_slice %arg4[%mul3A_2] : memref<2048xi32, #tpu.memory_space<hbm>> -> memref<64xi32, #tpu.memory_space<hbm>>
      tpu.wait_dma2 semaphore(%run_scoped3A : memref<!tpu.dma_semaphore, #tpu.memory_space<semaphore_mem>>) src(%arg7 : memref<64xi32, #tpu.memory_space<vmem>>) dst(%dma_wait3A_19 : memref<64xi32, #tpu.memory_space<hbm>>)
      tpu.yield
    }) : () -> ()
    return
  }
}

module attributes {stable_mosaic.version = 14 : i64} {
  func.func @_gmm_body(%arg0: i32, %arg1: memref<5x80xi32, #tpu.memory_space<smem>>, %arg2: memref<2048x768xf32, #tpu.memory_space<vmem>>, %arg3: memref<1x1x768xf32, #tpu.memory_space<vmem>>, %arg4: memref<1x1x768xf32, #tpu.memory_space<vmem>>, %arg5: memref<1x768x128xf32, #tpu.memory_space<vmem>>, %arg6: memref<1x1x128xf32, #tpu.memory_space<vmem>>, %arg7: memref<1x128x128xf32, #tpu.memory_space<vmem>>, %arg8: memref<1x1x128xf32, #tpu.memory_space<vmem>>, %arg9: memref<2048x128xf32, #tpu.memory_space<vmem>>) attributes {dimension_semantics = [#tpu.dimension_semantics<arbitrary>], iteration_bounds = array<i64: 80>, scalar_prefetch = 1 : i64, scratch_operands = 0 : i64, tpu.core_type = #tpu.core_type<tc>, window_params = [{pipeline_mode = #tpu.pipeline_mode<synchronous>, transform_indices = @transform_0, window_bounds = array<i64: 2048, 768>}, {transform_indices = @transform_1, window_bounds = array<i64: 1, 1, 768>}, {transform_indices = @transform_2, window_bounds = array<i64: 1, 1, 768>}, {transform_indices = @transform_3, window_bounds = array<i64: 1, 768, 128>}, {transform_indices = @transform_4, window_bounds = array<i64: 1, 1, 128>}, {transform_indices = @transform_5, window_bounds = array<i64: 1, 128, 128>}, {transform_indices = @transform_6, window_bounds = array<i64: 1, 1, 128>}, {pipeline_mode = #tpu.pipeline_mode<synchronous>, transform_indices = @transform_7, window_bounds = array<i64: 2048, 128>}]} {
    %get3A = arith.constant 2 : index
    %get3A_0 = arith.index_cast %arg0 : i32 to index
    %get3A_1 = memref.load %arg1[%get3A, %get3A_0] : memref<5x80xi32, #tpu.memory_space<smem>>
    %get3A_2 = arith.constant 3 : index
    %get3A_3 = arith.index_cast %arg0 : i32 to index
    %get3A_4 = memref.load %arg1[%get3A_2, %get3A_3] : memref<5x80xi32, #tpu.memory_space<smem>>
    %gt3A = arith.cmpi sgt, %get3A_4, %get3A_1 : i32
    %convert_element_type3A = arith.extui %gt3A : i1 to i32
    %cond3A = arith.constant 0 : i32
    %cond3A_5 = arith.cmpi ne, %convert_element_type3A, %cond3A : i32
    scf.if %cond3A_5 {
      %get3A_6 = arith.constant 0 : index
      %get3A_7 = arith.index_cast %arg0 : i32 to index
      %get3A_8 = memref.load %arg1[%get3A_6, %get3A_7] : memref<5x80xi32, #tpu.memory_space<smem>>
      %mul3A = arith.constant 128 : i32
      %mul3A_9 = arith.muli %get3A_8, %mul3A : i32
      %get3A_10 = arith.index_cast %mul3A_9 : i32 to index
      %get3A_11 = arith.constant 0 : index
      %get3A_12 = vector.load %arg2[%get3A_10, %get3A_11] : memref<2048x768xf32, #tpu.memory_space<vmem>>, vector<128x128xf32>
      %get3A_13 = arith.constant 0 : index
      %get3A_14 = arith.constant 0 : index
      %get3A_15 = arith.constant 0 : index
      %get3A_16 = vector.load %arg5[%get3A_13, %get3A_14, %get3A_15] : memref<1x768x128xf32, #tpu.memory_space<vmem>>, vector<1x128x128xf32>
      %get3A_17 = vector.shape_cast %get3A_16 : vector<1x128x128xf32> to vector<128x128xf32>
      %add3A = arith.addf %get3A_12, %get3A_17 : vector<128x128xf32>
      %get3A_18 = arith.constant 0 : index
      %get3A_19 = arith.constant 0 : index
      %get3A_20 = arith.constant 0 : index
      %get3A_21 = vector.load %arg7[%get3A_18, %get3A_19, %get3A_20] : memref<1x128x128xf32, #tpu.memory_space<vmem>>, vector<1x128x128xf32>
      %get3A_22 = vector.shape_cast %get3A_21 : vector<1x128x128xf32> to vector<128x128xf32>
      %add3A_23 = arith.addf %add3A, %get3A_22 : vector<128x128xf32>
      %iota3A = tpu.iota {dimensions = array<i32: 0>} : vector<128x1xi32>
      %add3A_24 = vector.broadcast %mul3A_9 : i32 to vector<128x1xi32>
      %add3A_25 = arith.addi %add3A_24, %iota3A : vector<128x1xi32>
      %ge3A = vector.broadcast %get3A_1 : i32 to vector<128x1xi32>
      %ge3A_26 = arith.cmpi sge, %add3A_25, %ge3A : vector<128x1xi32>
      %lt3A = vector.broadcast %get3A_4 : i32 to vector<128x1xi32>
      %lt3A_27 = arith.cmpi slt, %add3A_25, %lt3A : vector<128x1xi32>
      %and3A = arith.andi %ge3A_26, %lt3A_27 : vector<128x1xi1>
      %jit3A = arith.constant 0.000000e+00 : f32
      %broadcast_in_dim3A = vector.shape_cast %and3A : vector<128x1xi1> to vector<128x1xi1>
      %broadcast_in_dim3A_28 = vector.broadcast %broadcast_in_dim3A : vector<128x1xi1> to vector<128x128xi1>
      %broadcast_in_dim3A_29 = vector.broadcast %jit3A : f32 to vector<128x128xf32>
      %select_n3A = arith.select %broadcast_in_dim3A_28, %add3A_23, %broadcast_in_dim3A_29 : vector<128x128xi1>, vector<128x128xf32>
      %get3A_30 = arith.constant 4 : index
      %get3A_31 = arith.index_cast %arg0 : i32 to index
      %get3A_32 = memref.load %arg1[%get3A_30, %get3A_31] : memref<5x80xi32, #tpu.memory_space<smem>>
      %ne3A = arith.constant 0 : i32
      %ne3A_33 = arith.cmpi ne, %get3A_32, %ne3A : i32
      %get3A_34 = arith.index_cast %mul3A_9 : i32 to index
      %get3A_35 = arith.constant 0 : index
      %get3A_36 = vector.load %arg9[%get3A_34, %get3A_35] : memref<2048x128xf32, #tpu.memory_space<vmem>>, vector<128x128xf32>
      %jit3A_37 = arith.constant 0.000000e+00 : f32
      %broadcast_in_dim3A_38 = vector.broadcast %jit3A_37 : f32 to vector<128x128xf32>
      %select_n3A_39 = arith.select %ne3A_33, %broadcast_in_dim3A_38, %get3A_36 : vector<128x128xf32>
      %add3A_40 = arith.addf %select_n3A_39, %select_n3A : vector<128x128xf32>
      %swap3A = arith.index_cast %mul3A_9 : i32 to index
      %swap3A_41 = arith.constant 0 : index
      %swap3A_42 = vector.load %arg9[%swap3A, %swap3A_41] : memref<2048x128xf32, #tpu.memory_space<vmem>>, vector<128x128xf32>
      tpu.vector_store %arg9[%swap3A, %swap3A_41], %add3A_40 {strides = array<i32>} : memref<2048x128xf32, #tpu.memory_space<vmem>>, vector<128x128xf32>,
    } else {
    }
    return
  }
  func.func @transform_0(%arg0: i32, %arg1: memref<5x80xi32, #tpu.memory_space<smem>>) -> (i32, i32) {
    %c0_i32 = arith.constant 0 : i32
    %c0_i32_0 = arith.constant 0 : i32
    %c0_i32_1 = arith.constant 0 : i32
    return %c0_i32, %c0_i32_0 : i32, i32
  }
  func.func @transform_1(%arg0: i32, %arg1: memref<5x80xi32, #tpu.memory_space<smem>>) -> (i32, i32, i32) {
    %get3A = arith.constant 1 : index
    %get3A_0 = arith.index_cast %arg0 : i32 to index
    %get3A_1 = memref.load %arg1[%get3A, %get3A_0] : memref<5x80xi32, #tpu.memory_space<smem>>
    %c0_i32 = arith.constant 0 : i32
    %c0_i32_2 = arith.constant 0 : i32
    %c0_i32_3 = arith.constant 0 : i32
    return %get3A_1, %c0_i32, %c0_i32_2 : i32, i32, i32
  }
  func.func @transform_2(%arg0: i32, %arg1: memref<5x80xi32, #tpu.memory_space<smem>>) -> (i32, i32, i32) {
    %get3A = arith.constant 1 : index
    %get3A_0 = arith.index_cast %arg0 : i32 to index
    %get3A_1 = memref.load %arg1[%get3A, %get3A_0] : memref<5x80xi32, #tpu.memory_space<smem>>
    %c0_i32 = arith.constant 0 : i32
    %c0_i32_2 = arith.constant 0 : i32
    %c0_i32_3 = arith.constant 0 : i32
    return %get3A_1, %c0_i32, %c0_i32_2 : i32, i32, i32
  }
  func.func @transform_3(%arg0: i32, %arg1: memref<5x80xi32, #tpu.memory_space<smem>>) -> (i32, i32, i32) {
    %get3A = arith.constant 1 : index
    %get3A_0 = arith.index_cast %arg0 : i32 to index
    %get3A_1 = memref.load %arg1[%get3A, %get3A_0] : memref<5x80xi32, #tpu.memory_space<smem>>
    %c0_i32 = arith.constant 0 : i32
    %c0_i32_2 = arith.constant 0 : i32
    %c0_i32_3 = arith.constant 0 : i32
    return %get3A_1, %c0_i32, %c0_i32_2 : i32, i32, i32
  }
  func.func @transform_4(%arg0: i32, %arg1: memref<5x80xi32, #tpu.memory_space<smem>>) -> (i32, i32, i32) {
    %get3A = arith.constant 1 : index
    %get3A_0 = arith.index_cast %arg0 : i32 to index
    %get3A_1 = memref.load %arg1[%get3A, %get3A_0] : memref<5x80xi32, #tpu.memory_space<smem>>
    %c0_i32 = arith.constant 0 : i32
    %c0_i32_2 = arith.constant 0 : i32
    %c0_i32_3 = arith.constant 0 : i32
    return %get3A_1, %c0_i32, %c0_i32_2 : i32, i32, i32
  }
  func.func @transform_5(%arg0: i32, %arg1: memref<5x80xi32, #tpu.memory_space<smem>>) -> (i32, i32, i32) {
    %get3A = arith.constant 1 : index
    %get3A_0 = arith.index_cast %arg0 : i32 to index
    %get3A_1 = memref.load %arg1[%get3A, %get3A_0] : memref<5x80xi32, #tpu.memory_space<smem>>
    %c0_i32 = arith.constant 0 : i32
    %c0_i32_2 = arith.constant 0 : i32
    %c0_i32_3 = arith.constant 0 : i32
    return %get3A_1, %c0_i32, %c0_i32_2 : i32, i32, i32
  }
  func.func @transform_6(%arg0: i32, %arg1: memref<5x80xi32, #tpu.memory_space<smem>>) -> (i32, i32, i32) {
    %get3A = arith.constant 1 : index
    %get3A_0 = arith.index_cast %arg0 : i32 to index
    %get3A_1 = memref.load %arg1[%get3A, %get3A_0] : memref<5x80xi32, #tpu.memory_space<smem>>
    %c0_i32 = arith.constant 0 : i32
    %c0_i32_2 = arith.constant 0 : i32
    %c0_i32_3 = arith.constant 0 : i32
    return %get3A_1, %c0_i32, %c0_i32_2 : i32, i32, i32
  }
  func.func @transform_7(%arg0: i32, %arg1: memref<5x80xi32, #tpu.memory_space<smem>>) -> (i32, i32) {
    %c0_i32 = arith.constant 0 : i32
    %c0_i32_0 = arith.constant 0 : i32
    %c0_i32_1 = arith.constant 0 : i32
    return %c0_i32, %c0_i32_0 : i32, i32
  }
}

module attributes {stable_mosaic.version = 14 : i64} {
  func.func @_router_body(%arg0: i32, %arg1: memref<256x768xf32, #tpu.memory_space<vmem>>, %arg2: memref<64x768xf32, #tpu.memory_space<vmem>>, %arg3: memref<1x64xf32, #tpu.memory_space<vmem>>, %arg4: memref<256xi32, #tpu.memory_space<vmem>>, %arg5: memref<256x768xf32, #tpu.memory_space<vmem>>) attributes {dimension_semantics = [#tpu.dimension_semantics<arbitrary>], iteration_bounds = array<i64: 8>, scalar_prefetch = 0 : i64, scratch_operands = 0 : i64, tpu.core_type = #tpu.core_type<tc>, window_params = [{transform_indices = @transform_0, window_bounds = array<i64: 256, 768>}, {pipeline_mode = #tpu.pipeline_mode<synchronous>, transform_indices = @transform_1, window_bounds = array<i64: 64, 768>}, {pipeline_mode = #tpu.pipeline_mode<synchronous>, transform_indices = @transform_2, window_bounds = array<i64: 1, 64>}, {transform_indices = @transform_3, window_bounds = array<i64: 256>}, {transform_indices = @transform_4, window_bounds = array<i64: 256, 768>}]} {
    %get3A = arith.constant 0 : index
    %get3A_0 = arith.constant 0 : index
    %get3A_1 = vector.load %arg1[%get3A, %get3A_0] : memref<256x768xf32, #tpu.memory_space<vmem>>, vector<256x768xf32>
    %get3A_2 = arith.constant 0 : index
    %get3A_3 = arith.constant 0 : index
    %get3A_4 = vector.load %arg2[%get3A_2, %get3A_3] : memref<64x768xf32, #tpu.memory_space<vmem>>, vector<64x768xf32>
    %dot_general3A = arith.constant dense<0.000000e+00> : vector<256x64xf32>
    %dot_general3A_5 = tpu.matmul %get3A_1, %get3A_4, %dot_general3A {dimension_numbers = #tpu.dot_dimension_numbers<[1], [1], [0], [0], [0, 0, 1, 0], [], []>, transpose_lhs_hint = false} : vector<256x768xf32>, vector<64x768xf32>, vector<256x64xf32> -> vector<256x64xf32>
    %get3A_6 = arith.constant 0 : index
    %get3A_7 = arith.constant 0 : index
    %get3A_8 = vector.load %arg3[%get3A_6, %get3A_7] : memref<1x64xf32, #tpu.memory_space<vmem>>, vector<1x64xf32>
    %add3A = vector.broadcast %get3A_8 : vector<1x64xf32> to vector<256x64xf32>
    %add3A_9 = arith.addf %dot_general3A_5, %add3A : vector<256x64xf32>
    %argmax3A = tpu.reduce_index %add3A_9 {axis = 1 : i32, kind = #tpu.reduction_kind<arg_max>} : vector<256x64xf32> -> vector<256xi32>
    %swap3A = arith.constant 0 : index
    %swap3A_10 = vector.load %arg4[%swap3A] : memref<256xi32, #tpu.memory_space<vmem>>, vector<256xi32>
    tpu.vector_store %arg4[%swap3A], %argmax3A {strides = array<i32>} : memref<256xi32, #tpu.memory_space<vmem>>, vector<256xi32>,
    %get3A_11 = arith.constant 0 : index
    %get3A_12 = arith.constant 0 : index
    %get3A_13 = vector.load %arg1[%get3A_11, %get3A_12] : memref<256x768xf32, #tpu.memory_space<vmem>>, vector<256x768xf32>
    %reduce_sum3A = arith.constant dense<0.000000e+00> : vector<256xf32>
    %reduce_sum3A_14 = vector.multi_reduction <add>, %get3A_13, %reduce_sum3A [1] : vector<256x768xf32> to vector<256xf32>
    %broadcast_in_dim3A = vector.shape_cast %reduce_sum3A_14 : vector<256xf32> to vector<256x1xf32>
    %div3A = arith.constant 7.680000e+02 : f32
    %div3A_15 = vector.broadcast %div3A : f32 to vector<256x1xf32>
    %div3A_16 = arith.divf %broadcast_in_dim3A, %div3A_15 : vector<256x1xf32>
    %sub3A = vector.broadcast %div3A_16 : vector<256x1xf32> to vector<256x768xf32>
    %sub3A_17 = arith.subf %get3A_13, %sub3A : vector<256x768xf32>
    %integer_pow3A = arith.mulf %sub3A_17, %sub3A_17 : vector<256x768xf32>
    %reduce_sum3A_18 = arith.constant dense<0.000000e+00> : vector<256xf32>
    %reduce_sum3A_19 = vector.multi_reduction <add>, %integer_pow3A, %reduce_sum3A_18 [1] : vector<256x768xf32> to vector<256xf32>
    %broadcast_in_dim3A_20 = vector.shape_cast %reduce_sum3A_19 : vector<256xf32> to vector<256x1xf32>
    %div3A_21 = arith.constant 7.680000e+02 : f32
    %div3A_22 = vector.broadcast %div3A_21 : f32 to vector<256x1xf32>
    %div3A_23 = arith.divf %broadcast_in_dim3A_20, %div3A_22 : vector<256x1xf32>
    %sub3A_24 = vector.broadcast %div3A_16 : vector<256x1xf32> to vector<256x768xf32>
    %sub3A_25 = arith.subf %get3A_13, %sub3A_24 : vector<256x768xf32>
    %add3A_26 = arith.constant 9.99999974E-6 : f32
    %add3A_27 = vector.broadcast %add3A_26 : f32 to vector<256x1xf32>
    %add3A_28 = arith.addf %div3A_23, %add3A_27 : vector<256x1xf32>
    %rsqrt3A = math.rsqrt %add3A_28 : vector<256x1xf32>
    %mul3A = vector.broadcast %rsqrt3A : vector<256x1xf32> to vector<256x768xf32>
    %mul3A_29 = arith.mulf %sub3A_25, %mul3A : vector<256x768xf32>
    %swap3A_30 = arith.constant 0 : index
    %swap3A_31 = arith.constant 0 : index
    %swap3A_32 = vector.load %arg5[%swap3A_30, %swap3A_31] : memref<256x768xf32, #tpu.memory_space<vmem>>, vector<256x768xf32>
    tpu.vector_store %arg5[%swap3A_30, %swap3A_31], %mul3A_29 {strides = array<i32>} : memref<256x768xf32, #tpu.memory_space<vmem>>, vector<256x768xf32>,
    return
  }
  func.func @transform_0(%arg0: i32) -> (i32, i32) {
    %c0_i32 = arith.constant 0 : i32
    %c0_i32_0 = arith.constant 0 : i32
    return %arg0, %c0_i32 : i32, i32
  }
  func.func @transform_1(%arg0: i32) -> (i32, i32) {
    %c0_i32 = arith.constant 0 : i32
    %c0_i32_0 = arith.constant 0 : i32
    %c0_i32_1 = arith.constant 0 : i32
    return %c0_i32, %c0_i32_0 : i32, i32
  }
  func.func @transform_2(%arg0: i32) -> (i32, i32) {
    %c0_i32 = arith.constant 0 : i32
    %c0_i32_0 = arith.constant 0 : i32
    %c0_i32_1 = arith.constant 0 : i32
    return %c0_i32, %c0_i32_0 : i32, i32
  }
  func.func @transform_3(%arg0: i32) -> i32 {
    %c0_i32 = arith.constant 0 : i32
    return %arg0 : i32
  }
  func.func @transform_4(%arg0: i32) -> (i32, i32) {
    %c0_i32 = arith.constant 0 : i32
    %c0_i32_0 = arith.constant 0 : i32
    return %arg0, %c0_i32 : i32, i32
  }
}

</mosaic_0001>

<sc_bundles>
// kernel: kernel.10.cloned.1.call-start
scs
__scs_entry_jumppad:
0x0: {  	(pc) =	sbr.rel $0x88, $3  }
0x1: {  	(tag) =	ssettag $0x0;
	lr =	simm.s32 $0x1  }
0x2: {  	[smem:$0x3F98] =	sst lr;
	_ =	strace $0xD0000000  }
0x3: {  	_ = 	snop  }
0x4: {  	_ = 	snop  }
0x5: {  	_ = 	snop  }
0x6: {  	_ = 	snop  }
0x7: {  	_ = 	snop  }
__scs_overlays_trampoline_lowered:
0x8: {  	[smem:$0x3FA7] =	sst s0  }
0x9: {  	[smem:$0x3FA8] =	sst s1  }
0xa: {  	[smem:$0x3FA9] =	sst s2  }
0xb: {  	[smem:$0x3FAA] =	sst s3  }
0xc: {  	[smem:$0x3FAB] =	sst s4  }
0xd: {  	[smem:$0x3FAC] =	sst s5  }
0xe: {  	[smem:$0x3FAD] =	sst s6  }
0xf: {  	[smem:$0x3FAE] =	sst s7  }
0x10: {  	[smem:$0x3FAF] =	sst s8  }
0x11: {  	[smem:$0x3FB0] =	sst s9;
	s0 =	simm.s32 @!p0 $0x0  }
0x12: {  	s1 =	sld [smem:$0x3F96];
	s0 =	simm.s32 @p0 $0x1  }
0x13: {  	[smem:$0x3FB1] =	sst s0;
	s0 =	simm.s32 @!p1 $0x0  }
0x14: {  	s2 =	sld [smem:$0x3F95];
	s0 =	simm.s32 @p1 $0x1  }
0x15: {  	[smem:$0x3FB2] =	sst s0;
	s0 =	simm.s32 @!p2 $0x0  }
0x16: {  	s3 =	sld [smem:$0x3FDB];
	s0 =	simm.s32 @p2 $0x1  }
0x17: {  	s4 =	simm.s32 $0x1BF5;
	[smem:$0x3FB4] =	sst s0  }
0x18: {  	s0 =	sld [smem:$0x3F97];
	_ =	swait.ge [sflag:s4], $0x0  }
0x19: {  	s7 =	sld [smem:$0x3F98]  }
0x1a: {  	s8 =	sadd.s32 $0xFFFFE003, lr  }
0x1b: {  	s9 =	sadd.s32 $0xFFFFFEF7, lr;
	s5 =	simm.s32 $0xFFFFFFFF;
	p2 =	slt.u32 s8, $0xFFFFF086  }
0x1c: {  	p1 =	slt.u32 s9, $0xF7A;
	s5 =	simm.s32 @!p2 $0x0  }
0x1d: {  	s5 =	simm.s32 @p1 $0x1;
	p0 =	seq.s32 s7, s2  }
0x1e: {  	s7 =	smul.u32 @!p0 $0xF7A, s2;
	p2 =	seq.s32 @!p0 s5, $0x0  }
0x1f: {  	s9 =	smul.u32 $0xF7A, s1;
	s8 =	simm.s32 @!p0 $0x1BF5;
	p2 =	por !p2, p0  }
0x20: {  	[sflag:s8] =	ssyncset.s32 @!p0 $0xFFFFF086;
	s6 =	sadd.s32 @!p0 s3, s7;
	s7 =	simm.s32 @!p0 $0x108  }
0x21: {  	s3 =	sadd.s32 s3, s9;
	s6 =	sadd.s32 @!p0 $0x88, s6;
	s7 =	simm.s32 @p2 $0x1082  }
0x22: {  	[simem:s7], [sflag:s8] =	dma.local @!p0 [hbm:s6], $0xF7A  }
0x23: {  	s9 =	sor.u32 $0xD0000000, s2;
	s6 =	simm.s32 $0x108;
	_ =	swait.ge @!p0 [sflag:s8], $0x0  }
0x24: {  	s3 =	sadd.s32 $0x88, s3;
	s6 =	simm.s32 @!p1 $0x1082;
	[sflag:s4] =	ssyncset.s32 $0xFFFFF086  }
0x25: {  	[simem:s6], [sflag:s4] =	dma.local [hbm:s3], $0xF7A  }
0x26: {  	[smem:$0x3F98] =	sst s1;
	(tag) =	ssettag s2;
	_ =	strace s9  }
0x27: {  	s1 =	sld [smem:$0x3FA8]  }
0x28: {  	s2 =	sld [smem:$0x3FA9]  }
0x29: {  	s4 =	sld [smem:$0x3FAB]  }
0x2a: {  	p0 =	seq.s32 s5, $0x0;
	s5 =	sld [smem:$0x3FAC]  }
0x2b: {  	s6 =	sld [smem:$0x3FAD]  }
0x2c: {  	s7 =	sld [smem:$0x3FAE]  }
0x2d: {  	s3 =	simm.s32 $0x108;
	s8 =	sld [smem:$0x3FAF]  }
0x2e: {  	s3 =	simm.s32 @!p0 $0x1082;
	s9 =	sld [smem:$0x3FB0]  }
0x2f: {  	lr =	sadd.s32 s0, s3;
	s0 =	sld [smem:$0x3FA7]  }
0x30: {  	s3 =	sld [smem:$0x3FAA]  }
0x31: {  	[smem:$0x3FB3] =	sst s10  }
0x32: {  	s10 =	sld [smem:$0x3FB1];
	_ =	sdelay $0x3  }
0x33: {  	p0 =	seq.s32 s10, $0x1;
	s10 =	sld [smem:$0x3FB3];
	_ =	sdelay $0x3  }
0x34: {  	[smem:$0x3FB3] =	sst s10  }
0x35: {  	s10 =	sld [smem:$0x3FB2];
	_ =	sdelay $0x3  }
0x36: {  	p1 =	seq.s32 s10, $0x1;
	s10 =	sld [smem:$0x3FB3];
	_ =	sdelay $0x3  }
0x37: {  	[smem:$0x3FB3] =	sst s10  }
0x38: {  	s10 =	sld [smem:$0x3FB4]  }
0x39: {  	_ = 	snop;
	(pc) =	sbr.ind lr, $3  }
0x3a: {  	_ = 	snop  }
0x3b: {  	_ = 	snop  }
0x3c: {  	p2 =	seq.s32 s10, $0x1;
	s10 =	sld [smem:$0x3FB3]  }
0x3d: {  	_ =	shalt  }
0x3e: {  	_ =	shalt  }
0x3f: {  	_ =	shalt  }
0x40: {  	_ =	shalt  }
0x41: {  	_ =	shalt  }
0x42: {  	_ =	shalt  }
0x43: {  	_ =	shalt  }
0x44: {  	_ =	shalt  }
0x45: {  	_ =	shalt  }
0x46: {  	_ =	shalt  }
0x47: {  	_ =	shalt  }
0x48: {  	_ =	shalt  }
0x49: {  	_ =	shalt  }
0x4a: {  	_ =	shalt  }
0x4b: {  	_ =	shalt  }
0x4c: {  	_ =	shalt  }
0x4d: {  	_ =	shalt  }
0x4e: {  	_ =	shalt  }
0x4f: {  	_ =	shalt  }
0x50: {  	_ =	shalt  }
0x51: {  	_ =	shalt  }
0x52: {  	_ =	shalt  }
0x53: {  	_ =	shalt  }
0x54: {  	_ =	shalt  }
0x55: {  	_ =	shalt  }
0x56: {  	_ =	shalt  }
0x57: {  	_ =	shalt  }
0x58: {  	_ =	shalt  }
0x59: {  	_ =	shalt  }
0x5a: {  	_ =	shalt  }
0x5b: {  	_ =	shalt  }
0x5c: {  	_ =	shalt  }
0x5d: {  	_ =	shalt  }
0x5e: {  	_ =	shalt  }
0x5f: {  	_ =	shalt  }
0x60: {  	_ =	shalt  }
0x61: {  	_ =	shalt  }
0x62: {  	_ =	shalt  }
0x63: {  	_ =	shalt  }
0x64: {  	_ =	shalt  }
0x65: {  	_ =	shalt  }
0x66: {  	_ =	shalt  }
0x67: {  	_ =	shalt  }
0x68: {  	_ =	shalt  }
0x69: {  	_ =	shalt  }
0x6a: {  	_ =	shalt  }
0x6b: {  	_ =	shalt  }
0x6c: {  	_ =	shalt  }
0x6d: {  	_ =	shalt  }
0x6e: {  	_ =	shalt  }
0x6f: {  	_ =	shalt  }
0x70: {  	_ =	shalt  }
0x71: {  	_ =	shalt  }
0x72: {  	_ =	shalt  }
0x73: {  	_ =	shalt  }
0x74: {  	_ =	shalt  }
0x75: {  	_ =	shalt  }
0x76: {  	_ =	shalt  }
0x77: {  	_ =	shalt  }
0x78: {  	_ =	shalt  }
0x79: {  	_ =	shalt  }
0x7a: {  	_ =	shalt  }
0x7b: {  	_ =	shalt  }
0x7c: {  	_ =	shalt  }
0x7d: {  	_ =	shalt  }
0x7e: {  	_ =	shalt  }
0x7f: {  	_ =	shalt  }
0x80: {  	_ =	shalt  }
0x81: {  	_ =	shalt  }
0x82: {  	_ =	shalt  }
0x83: {  	_ =	shalt  }
0x84: {  	_ =	shalt  }
0x85: {  	_ =	shalt  }
0x86: {  	_ =	shalt  }
0x87: {  	_ =	shalt  }
.Lfunc_end0:
.L_simem_size_0:
called_computation.1_lowered:
.L_overlay_start_0:
0x88: {  	s2 =	sld [smem:$0x3FD9]  }
0x89: {  	s3 =	sld [smem:$0x3FFE];
	_ =	sdelay $0x1  }
0x8a: {  	s1 =	srdreg.scid  }
0x8b: {  	s0 =	sand.u32 $0x1, s1  }
0x8c: {  	s17 =	sshll.u32 s0, $0xA;
	s2 =	sadd.s32 s3, s2  }
0x8d: {  	s2 =	sadd.s32 s2, s17  }
0x8e: {  	[smem:$0x3FBF] =	sst s2  }
0x8f: {  	_ = 	snop  }
0x90: {  	s2 =	sld [smem:$0x3FD0];
	(tm) =	ssettm $0x1  }
0x91: {  	s18 =	sld [smem:$0x3FFB];
	_ =	sdelay $0x3  }
0x92: {  	_ =	strace s18  }
0x93: {  	s3 =	sld [smem:$0x3FFC];
	_ =	sdelay $0x3  }
0x94: {  	_ =	strace s3  }
0x95: {  	s3 =	sld [smem:$0x3FFD];
	_ =	sdelay $0x3  }
0x96: {  	_ =	strace s3  }
0x97: {  	_ =	strace $0x8FFFFFFF  }
0x98: {  	s19 =	sld [smem:$0x3FDB];
	_ =	sdelay $0x1  }
0x99: {  	s4 =	simm.s32 $_scs_section_size  }
0x9a: {  	s5 =	simm.s32 $_size__tile_overlayer_lowered;
	s6 =	simm.s32 $_tile_overlayer_lowered  }
0x9b: {  	s22 =	simm.s32 $0x1BFF;
	s21 =	sshll.u32 s6, $0x1;
	s3 =	sadd.s32 s4, s19  }
0x9c: {  	s7 =	simm.s32 $0x0;
	s20 =	sshll.u32 s5, $0x1;
	s5 =	sadd.s32 s21, s3  }
0x9d: {  	[timem:s7], [sflag:s22] =	dma.local [hbm:s5], s20  }
0x9e: {  	_ =	swait.ge [sflag:s22], s20  }
0x9f: {  	s4 =	ssub.s32 $0x0, s20;
	[sflag:s22] =	ssyncset.done $0x0  }
0xa0: {  	[sflag:s22] =	ssyncadd.s32 s4;
	_ =	sdelay $0x1  }
0xa1: {  	s23 =	simm.s32 $0x1B8B  }
0xa2: {  	_ =	swait.ge [sflag:s23], $0x1  }
0xa3: {  	[sflag:s23] =	ssyncset.done $0x0  }
0xa4: {  	s25 =	simm.s32 $0x1B8E;
	s24 =	sld [smem:$0x3FFE];
	[sflag:s23] =	ssyncadd.s32 $0xFFFFFFFF  }
0xa5: {  	s26 =	simm.s32 $execute0_lowered;
	[smem:$0x3FD2] =	sst s25  }
0xa6: {  	s5 =	sshll.u32 s26, $0x1;
	_ =	strace $0x80000049;
	[dreg:$0x1] =	wrdreg $0xFFFFFFFF  }
0xa7: {  	s28 =	simm.s32 $_size_execute0_lowered;
	s3 =	sadd.s32 s3, s5;
	[dreg:$0x0] =	wrdreg $0x0  }
0xa8: {  	s5 =	sshll.u32 s28, $0x1;
	[dreg:$0x2] =	wrdreg s3  }
0xa9: {  	[dreg:$0x3] =	wrdreg s5  }
0xaa: {  	[dreg:$0x4] =	wrdreg $0xC0  }
0xab: {  	_ =	task [dreg:s7], $0x5FFFF  }
0xac: {  	[dreg:$0x1] =	wrdreg $0xFFFFFFFF  }
0xad: {  	[dreg:$0x0] =	wrdreg $0x60  }
0xae: {  	[dreg:$0x2] =	wrdreg s24  }
0xaf: {  	[dreg:$0x3] =	wrdreg s2  }
0xb0: {  	[dreg:$0x4] =	wrdreg $0x9  }
0xb1: {  	_ =	task.clear_ibuf [dreg:s7], $0x5FFFF;
	_ =	strace $0x90000049  }
0xb2: {  	s29 =	simm.s32 $0x9;
	_ =	strace $0x8000004B  }
0xb3: {  	_ =	swait.ge [sflag:s29], $0x1  }
0xb4: {  	[sflag:s29] =	ssyncadd.s32 $0xFFFFFFFF  }
0xb5: {  	_ =	strace $0x9000004B  }
0xb6: {  	_ =	sfence  }
0xb7: {  	s30 =	sld [smem:$0x0];
	_ =	sdelay $0x2  }
0xb8: {  	s31 =	sshll.u32 s1, $0xD;
	s1 =	sshrl.u32 s1, $0x2  }
0xb9: {  	s3 =	sand.u32 $0x4000, s31;
	s1 =	sadd.s32 s1, s30  }
0xba: {  	s0 =	sor.u32 s3, s0;
	s1 =	sshll.u32 s1, $0x11  }
0xbb: {  	s0 =	sor.u32 s1, s0  }
0xbc: {  	s0 =	sadd.s32 $0x8F2B, s0  }
0xbd: {  	[sflag:s0] =	ssyncadd.remote.s32 $0x1  }
0xbe: {  	_ =	sfence.sel $0xFFFF  }
0xbf: {  	[dreg:$0x0] =	wrdreg $0xFFFFFFFF;
	(pc) =	sbr.abs _section_cstart, $3  }
0xc0: {  	[dreg:$0x1] =	wrdreg $0xFFFFFFFF  }
0xc1: {  	_ =	task.clear_ibuf [dreg:s7], $0x2FFFF;
	_ =	strace $0x9FFFFFFF  }
0xc2: {  	(tm) =	ssettm $0x7FFFFFFF  }
0xc3: {  	_ =	shalt  }
tec
execute0_lowered:
.L_overlay_start_1:
0x0: {  	(tag) =	ssettag $0x1  }
0x1: {  	s0 =	srdreg.scid  }
0x2: {  	s2 =	stileid.u32;
	s1 =	rddreg [dreg:$0x0]  }
0x3: {  	s4 =	simm.s32 $0x0;
	s14 =	simm.s32 $0x1800;
	s15 =	simm.s32 $0x2  }
0x4: {  	s18 =	simm.s32 $0x1180;
	s20 =	simm.s32 $0x1380;
	s21 =	simm.s32 $0x1280  }
0x5: {  	s22 =	simm.s32 $0x1300;
	s23 =	simm.s32 $0x1200;
	s25 =	simm.s32 $0x1  }
0x6: {  	s29 =	simm.s32 $0x9800;
	s30 =	simm.s32 $0xA000;
	s31 =	simm.s32 $0xA800  }
0x7: {  	s24 =	simm.s32 $0xC000;
	s16 =	simm.s32 $0x0;
	s0 =	sand.u32 $0x1, s0  }
0x8: {  	s2 =	sshll.u32 s2, $0x1;
	[smem:$0x7FF] =	sst s4;
	s5 =	sadd.s32 $0x33400, s1  }
0x9: {  	s7 =	sadd.s32 $0x63400, s1;
	s11 =	sadd.s32 $0x33500, s1;
	s12 =	sadd.s32 $0x33600, s1  }
0xa: {  	s3 =	sor.u32 s0, s2;
	_ =	strace $0x8000004A;
	s0 =	ssub.s32 $0x2, s0  }
0xb: {  	[dreg:$0x3] =	wrdreg s7;
	s2 =	smul.u32 $0x1800, s3;
	s6 =	sshll.u32 s3, $0x3  }
.Ltmp0:
0xc: {  	s28 =	sshrl.u32 s0, $0x1;
	p0 =	sne.s32 s3, $0x0;
	(pc) =	sbr.rel .LBB2_1-.Ltmp0, $4  }
0xd: {  	s6 =	sadd.s32 s6, s1;
	s0 =	ssub.s32 s0, s28;
	s2 =	sadd.s32 s2, s1  }
0xe: {  	v0 =	vlaneseq.u32;
	s8 =	sadd.s32 $0x33000, s6;
	s9 =	sadd.s32 $0x33200, s6;
	s10 =	sadd.s32 $0x63600, s6  }
0xf: {  	v1 =	vimm.s32 $0x0;
	v2 =	vor.u32 $0x10, v0;
	s13 =	smax.u32 s0, $0x1;
	s1 =	simm.s32 $0xB000;
	s0 =	simm.s32 $0xB800  }
0x10: {  	v3 =	vor.u32 $0x20, v0;
	v4 =	vor.u32 $0x30, v0;
	v5 =	vor.u32 $0x40, v0;
	s6 =	simm.s32 $0xC800;
	s7 =	sadd.s32 $0x3000, s2;
	s2 =	simm.s32 $0xD000  }
.LBB2_11:
0x11: {  	_ =	swait.ge [sflag:s25], $0xC000  }
0x12: {  	[sflag:s25] =	ssyncset.done $0x0  }
0x13: {  	[sflag:s25] =	ssyncadd.s32 $0xFFFF4000  }
0x14: {  	v6 =	vld [tilespmem:$0x1100];
	_ =	sdelay $0x4  }
0x15: {  	v7 =	vshrl.u32 v6, $0x3  }
0x16: {  	v7 =	vmul.u32 $0x30, v7  }
0x17: {  	v6 =	vand.u32 $0x7, v6  }
0x18: {  	v8 =	vshrl.u32 v0, $0x3;
	v6 =	vor.u32 v6, v7;
	v7 =	vand.u32 $0x7, v0  }
0x19: {  	v8 =	vmul.u32 $0x8, v8;
	v9 =	vperm.xlane v6, v7;
	_ =	sdelay $0x1  }
0x1a: {  	v9 =	vadd.s32 v8, v9;
	_ =	sdelay $0x2  }
0x1b: {  	v10 =	vor.u32 $0x8, v0  }
0x1c: {  	vm0 =	vmmov $0xffff;
	v6 =	vperm.xlane v6, v10  }
0x1d: {  	[hbm4b:s5+s4] =	stream.indirect_vreg.scatter [tilespmem:s14], [sflag:$0x1], $0x80, v9, vm0, $0xb8;
	[tilespmem:$0xD800] =	vst v63  }
0x1e: {  	s17 =	simm.s32 $0x2000;
	v6 =	vadd.s32 v8, v6  }
0x1f: {  	[hbm4b:s11+s4] =	stream.indirect_vreg.scatter [tilespmem:s17], [sflag:$0x1], $0x80, v9, vm0, $0xb8;
	[tilespmem:$0xD800] =	vst v63  }
0x20: {  	s26 =	simm.s32 $0x2800  }
0x21: {  	[hbm4b:s12+s4] =	stream.indirect_vreg.scatter [tilespmem:s26], [sflag:$0x1], $0x80, v9, vm0, $0xb8;
	[tilespmem:$0xD800] =	vst v63  }
0x22: {  	s28 =	simm.s32 $0x3000  }
0x23: {  	[hbm4b:s5+s4] =	stream.indirect_vreg.scatter [tilespmem:s28], [sflag:$0x1], $0x80, v6, vm0, $0xb8;
	[tilespmem:$0xD800] =	vst v63  }
0x24: {  	s19 =	simm.s32 $0x3800  }
0x25: {  	[hbm4b:s11+s4] =	stream.indirect_vreg.scatter [tilespmem:s19], [sflag:$0x1], $0x80, v6, vm0, $0xb8;
	[tilespmem:$0xD800] =	vst v63  }
0x26: {  	s26 =	simm.s32 $0x4000  }
0x27: {  	[hbm4b:s12+s4] =	stream.indirect_vreg.scatter [tilespmem:s26], [sflag:$0x1], $0x80, v6, vm0, $0xb8;
	[tilespmem:$0xD800] =	vst v63  }
0x28: {  	v6 =	vld [tilespmem:$0x1110];
	_ =	sdelay $0x4  }
0x29: {  	v61 =	vshrl.u32 v6, $0x3  }
0x2a: {  	v9 =	vmul.u32 $0x30, v61  }
0x2b: {  	v6 =	vand.u32 $0x7, v6  }
0x2c: {  	v6 =	vor.u32 v6, v9  }
0x2d: {  	v9 =	vperm.xlane v6, v7;
	_ =	sdelay $0x1  }
0x2e: {  	v9 =	vadd.s32 v8, v9;
	_ =	sdelay $0x3  }
0x2f: {  	s28 =	simm.s32 $0x4800;
	v6 =	vperm.xlane v6, v10  }
0x30: {  	[hbm4b:s5+s4] =	stream.indirect_vreg.scatter [tilespmem:s28], [sflag:$0x1], $0x80, v9, vm0, $0xb8;
	[tilespmem:$0xD800] =	vst v63  }
0x31: {  	s19 =	simm.s32 $0x5000;
	v6 =	vadd.s32 v8, v6  }
0x32: {  	[hbm4b:s11+s4] =	stream.indirect_vreg.scatter [tilespmem:s19], [sflag:$0x1], $0x80, v9, vm0, $0xb8;
	[tilespmem:$0xD800] =	vst v63  }
0x33: {  	s26 =	simm.s32 $0x5800  }
0x34: {  	[hbm4b:s12+s4] =	stream.indirect_vreg.scatter [tilespmem:s26], [sflag:$0x1], $0x80, v9, vm0, $0xb8;
	[tilespmem:$0xD800] =	vst v63  }
0x35: {  	s28 =	simm.s32 $0x6000  }
0x36: {  	[hbm4b:s5+s4] =	stream.indirect_vreg.scatter [tilespmem:s28], [sflag:$0x1], $0x80, v6, vm0, $0xb8;
	[tilespmem:$0xD800] =	vst v63  }
0x37: {  	s19 =	simm.s32 $0x6800  }
0x38: {  	[hbm4b:s11+s4] =	stream.indirect_vreg.scatter [tilespmem:s19], [sflag:$0x1], $0x80, v6, vm0, $0xb8;
	[tilespmem:$0xD800] =	vst v63  }
0x39: {  	s26 =	simm.s32 $0x7000  }
0x3a: {  	[hbm4b:s12+s4] =	stream.indirect_vreg.scatter [tilespmem:s26], [sflag:$0x1], $0x80, v6, vm0, $0xb8;
	[tilespmem:$0xD800] =	vst v63  }
0x3b: {  	v6 =	vld [tilespmem:$0x1120];
	_ =	sdelay $0x4  }
0x3c: {  	v62 =	vshrl.u32 v6, $0x3  }
0x3d: {  	v9 =	vmul.u32 $0x30, v62  }
0x3e: {  	v6 =	vand.u32 $0x7, v6  }
0x3f: {  	v6 =	vor.u32 v6, v9  }
0x40: {  	v9 =	vperm.xlane v6, v7;
	_ =	sdelay $0x1  }
0x41: {  	v9 =	vadd.s32 v8, v9;
	_ =	sdelay $0x3  }
0x42: {  	s28 =	simm.s32 $0x7800;
	v6 =	vperm.xlane v6, v10  }
0x43: {  	[hbm4b:s5+s4] =	stream.indirect_vreg.scatter [tilespmem:s28], [sflag:$0x1], $0x80, v9, vm0, $0xb8;
	[tilespmem:$0xD800] =	vst v63  }
0x44: {  	s19 =	simm.s32 $0x8000;
	v6 =	vadd.s32 v8, v6  }
0x45: {  	[hbm4b:s11+s4] =	stream.indirect_vreg.scatter [tilespmem:s19], [sflag:$0x1], $0x80, v9, vm0, $0xb8;
	[tilespmem:$0xD800] =	vst v63  }
0x46: {  	s26 =	simm.s32 $0x8800  }
0x47: {  	[hbm4b:s12+s4] =	stream.indirect_vreg.scatter [tilespmem:s26], [sflag:$0x1], $0x80, v9, vm0, $0xb8;
	[tilespmem:$0xD800] =	vst v63  }
0x48: {  	s28 =	simm.s32 $0x9000  }
0x49: {  	[hbm4b:s5+s4] =	stream.indirect_vreg.scatter [tilespmem:s28], [sflag:$0x1], $0x80, v6, vm0, $0xb8;
	[tilespmem:$0xD800] =	vst v63  }
0x4a: {  	_ = 	snop  }
0x4b: {  	[hbm4b:s11+s4] =	stream.indirect_vreg.scatter [tilespmem:s29], [sflag:$0x1], $0x80, v6, vm0, $0xb8;
	[tilespmem:$0xD800] =	vst v63  }
0x4c: {  	_ = 	snop  }
0x4d: {  	[hbm4b:s12+s4] =	stream.indirect_vreg.scatter [tilespmem:s30], [sflag:$0x1], $0x80, v6, vm0, $0xb8;
	[tilespmem:$0xD800] =	vst v63  }
0x4e: {  	v6 =	vld [tilespmem:$0x1130];
	_ =	sdelay $0x4  }
0x4f: {  	v63 =	vshrl.u32 v6, $0x3  }
0x50: {  	v9 =	vmul.u32 $0x30, v63  }
0x51: {  	v6 =	vand.u32 $0x7, v6  }
0x52: {  	v6 =	vor.u32 v6, v9  }
0x53: {  	v7 =	vperm.xlane v6, v7;
	_ =	sdelay $0x1  }
0x54: {  	v7 =	vadd.s32 v8, v7;
	_ =	sdelay $0x3  }
0x55: {  	v6 =	vperm.xlane v6, v10  }
0x56: {  	[hbm4b:s5+s4] =	stream.indirect_vreg.scatter [tilespmem:s31], [sflag:$0x1], $0x80, v7, vm0, $0xb8;
	[tilespmem:$0xD800] =	vst v63  }
0x57: {  	v6 =	vadd.s32 v8, v6  }
0x58: {  	[hbm4b:s11+s4] =	stream.indirect_vreg.scatter [tilespmem:s1], [sflag:$0x1], $0x80, v7, vm0, $0xb8;
	[tilespmem:$0xD800] =	vst v63  }
0x59: {  	_ = 	snop  }
0x5a: {  	[hbm4b:s12+s4] =	stream.indirect_vreg.scatter [tilespmem:s0], [sflag:$0x1], $0x80, v7, vm0, $0xb8;
	[tilespmem:$0xD800] =	vst v63  }
0x5b: {  	s16 =	sadd.s32 $0x1, s16  }
0x5c: {  	[hbm4b:s5+s4] =	stream.indirect_vreg.scatter [tilespmem:s24], [sflag:$0x1], $0x80, v6, vm0, $0xb8;
	[tilespmem:$0xD800] =	vst v63  }
0x5d: {  	p1 =	sne.s32 s16, s13  }
0x5e: {  	[hbm4b:s11+s4] =	stream.indirect_vreg.scatter [tilespmem:s6], [sflag:$0x1], $0x80, v6, vm0, $0xb8;
	[tilespmem:$0xD800] =	vst v63  }
.Ltmp1:
0x5f: {  	_ = 	snop;
	(pc) =	sbr.rel @!p1 .LBB2_12-.Ltmp1, $4  }
0x60: {  	[hbm4b:s12+s4] =	stream.indirect_vreg.scatter [tilespmem:s2], [sflag:$0x1], $0x80, v6, vm0, $0xb8;
	[tilespmem:$0xD800] =	vst v63  }
0x61: {  	_ =	swait.ge [sflag:s25], $0xC000  }
0x62: {  	[sflag:s25] =	ssyncset.done $0x0  }
0x63: {  	[sflag:s25] =	ssyncadd.s32 $0xFFFF4000  }
.LBB2_1:
0x64: {  	[tilespmem:s14], [sflag:$0x1] =	stream.linear.gather [hbm4b:s7+s4], $0xC000, $0x38;
	[tilespmem:$0xD800] =	vst v63  }
0x65: {  	s17 =	rddreg [dreg:$0x1]  }
0x66: {  	[tilespmem:s4], [sflag:$0x2] =	stream.linear.gather [hbm4b:s17+s4], $0x1000, $0x38;
	[tilespmem:$0xD800] =	vst v63  }
0x67: {  	_ =	swait.ge [sflag:s15], $0x1000  }
0x68: {  	[sflag:s15] =	ssyncset.done $0x0  }
0x69: {  	s26 =	simm.s32 $0x1000;
	[sflag:s15] =	ssyncadd.s32 $0xFFFFF000  }
0x6a: {  	[tilespmem:s26], [sflag:$0x2] =	stream.linear.gather [hbm4b:s8+s4], $0x40, $0x38;
	[tilespmem:$0xD800] =	vst v63  }
0x6b: {  	_ =	swait.ge [sflag:s15], $0x40  }
0x6c: {  	[sflag:s15] =	ssyncset.done $0x0  }
0x6d: {  	s28 =	simm.s32 $0x1080;
	[sflag:s15] =	ssyncadd.s32 $0xFFFFFFC0  }
0x6e: {  	[tilespmem:s28], [sflag:$0x2] =	stream.linear.gather [hbm4b:s9+s4], $0x40, $0x38;
	[tilespmem:$0xD800] =	vst v63  }
0x6f: {  	_ =	swait.ge [sflag:s15], $0x40  }
0x70: {  	[sflag:s15] =	ssyncset.done $0x0  }
0x71: {  	[sflag:s15] =	ssyncadd.s32 $0xFFFFFFC0  }
0x72: {  	v6 =	vld [tilespmem:s4+$0x0];
	_ =	sdelay $0x3  }
0x73: {  	p1 =	sgt.u32 s3, $0x0  }
0x74: {  	s19 =	simm.s32 $0x80;
	s17 =	simm.s32 $0x1;
	v7 =	vadd.s32 v1, v6;
	v8 =	vpsel !p1, $0x0, v6;
	v6 =	vimm.s32 $0x0  }
.LBB2_2:
0x75: {  	v9 =	vld [tilespmem:s19+$0x0];
	p1 =	sne.s32 s17, $0x1F;
	v6 =	vadd.s32 v6, v8;
	s26 =	smov.u32 s17;
	s17 =	sadd.s32 $0x1, s17  }
.Ltmp2:
0x76: {  	(pc) =	sbr.rel @p1 .LBB2_2-.Ltmp2, $3  }
0x77: {  	_ =	sdelay $0x1  }
0x78: {  	p2 =	slt.u32 s26, s3  }
0x79: {  	s19 =	sadd.s32 $0x80, s19;
	v7 =	vadd.s32 v7, v9;
	v8 =	vpsel !p2, $0x0, v9  }
0x7a: {  	(xrf0) =	vadd.scan.msk.s32 $0xffff, v7;
	_ =	sdelay $0x4  }
0x7b: {  	v8 =	vadd.s32 v6, v8  }
0x7c: {  	v8 =	vsub.s32 v8, v7;
	v6, _, _ =	vpop (xrf0)  }
0x7d: {  	[tilespmem:$0x1200] =	vst v7;
	v8 =	vadd.s32 v6, v8  }
0x7e: {  	s17 =	simm.s32 $0x10;
	[tilespmem:$0x1180] =	vst v8  }
0x7f: {  	v9 =	vld [tilespmem:s17+$0x0];
	_ =	sdelay $0x3  }
0x80: {  	p1 =	sgt.u32 s3, $0x0;
	v8 =	vimm.s32 $0x0  }
0x81: {  	s19 =	simm.s32 $0x90;
	s17 =	simm.s32 $0x1;
	v7 =	vadd.s32 v8, v9;
	v9 =	vpsel !p1, $0x0, v9  }
.LBB2_4:
0x82: {  	v10 =	vld [tilespmem:s19+$0x0];
	p1 =	sne.s32 s17, $0x1F;
	v8 =	vadd.s32 v8, v9;
	s26 =	smov.u32 s17;
	s17 =	sadd.s32 $0x1, s17  }
.Ltmp3:
0x83: {  	(pc) =	sbr.rel @p1 .LBB2_4-.Ltmp3, $3  }
0x84: {  	_ =	sdelay $0x1  }
0x85: {  	p2 =	slt.u32 s26, s3  }
0x86: {  	s19 =	sadd.s32 $0x80, s19;
	v7 =	vadd.s32 v7, v10;
	v9 =	vpsel !p2, $0x0, v10  }
0x87: {  	(xrf0) =	vadd.scan.msk.s32 $0xffff, v7;
	_ =	sdelay $0x2  }
0x88: {  	v10 =	vbroadcast v6, $0xF;
	_ =	sdelay $0x1  }
0x89: {  	v9 =	vadd.s32 v8, v9;
	v10 =	vsub.s32 v10, v7  }
0x8a: {  	v9 =	vadd.s32 v9, v10;
	v8, _, _ =	vpop (xrf0)  }
0x8b: {  	[tilespmem:$0x1210] =	vst v7;
	v9 =	vadd.s32 v8, v9  }
0x8c: {  	s17 =	simm.s32 $0x20;
	[tilespmem:$0x1190] =	vst v9  }
0x8d: {  	v10 =	vld [tilespmem:s17+$0x0];
	_ =	sdelay $0x3  }
0x8e: {  	p1 =	sgt.u32 s3, $0x0;
	v9 =	vimm.s32 $0x0  }
0x8f: {  	s19 =	simm.s32 $0xA0;
	s17 =	simm.s32 $0x1;
	v7 =	vadd.s32 v9, v10;
	v10 =	vpsel !p1, $0x0, v10  }
.LBB2_6:
0x90: {  	v11 =	vld [tilespmem:s19+$0x0];
	p1 =	sne.s32 s17, $0x1F;
	v9 =	vadd.s32 v9, v10;
	s26 =	smov.u32 s17;
	s17 =	sadd.s32 $0x1, s17  }
.Ltmp4:
0x91: {  	(pc) =	sbr.rel @p1 .LBB2_6-.Ltmp4, $3  }
0x92: {  	_ =	sdelay $0x1  }
0x93: {  	p2 =	slt.u32 s26, s3  }
0x94: {  	s19 =	sadd.s32 $0x80, s19;
	v7 =	vadd.s32 v7, v11;
	v10 =	vpsel !p2, $0x0, v11  }
0x95: {  	(v2sf) =	vpush v6, $0xF  }
0x96: {  	(v2sf) =	vpush v8, $0xF;
	_ =	sdelay $0xb  }
0x97: {  	(xrf0) =	vadd.scan.msk.s32 $0xffff, v7;
	_ =	sdelay $0x1  }
0x98: {  	s17 =	spop (v2sf)  }
0x99: {  	s19 =	spop (v2sf)  }
0x9a: {  	s17 =	sadd.s32 s17, s19  }
0x9b: {  	v6 =	vadd.s32 v9, v10;
	v9 =	vsub.s32 s17, v7  }
0x9c: {  	v8, _, _ =	vpop (xrf0);
	v6 =	vadd.s32 v6, v9  }
0x9d: {  	[tilespmem:$0x1220] =	vst v7;
	v6 =	vadd.s32 v8, v6  }
0x9e: {  	s28 =	simm.s32 $0x30;
	[tilespmem:$0x11A0] =	vst v6  }
0x9f: {  	v9 =	vld [tilespmem:s28+$0x0];
	_ =	sdelay $0x3  }
0xa0: {  	p1 =	sgt.u32 s3, $0x0;
	v7 =	vimm.s32 $0x0  }
0xa1: {  	s26 =	simm.s32 $0xB0;
	s19 =	simm.s32 $0x1;
	v6 =	vadd.s32 v7, v9;
	v9 =	vpsel !p1, $0x0, v9  }
.LBB2_8:
0xa2: {  	v10 =	vld [tilespmem:s26+$0x0];
	p1 =	sne.s32 s19, $0x1F;
	v7 =	vadd.s32 v7, v9;
	s28 =	smov.u32 s19;
	s19 =	sadd.s32 $0x1, s19  }
.Ltmp5:
0xa3: {  	(pc) =	sbr.rel @p1 .LBB2_8-.Ltmp5, $3  }
0xa4: {  	_ =	sdelay $0x1  }
0xa5: {  	p2 =	slt.u32 s28, s3  }
0xa6: {  	s26 =	sadd.s32 $0x80, s26;
	v6 =	vadd.s32 v6, v10;
	v9 =	vpsel !p2, $0x0, v10  }
0xa7: {  	(v2sf) =	vpush v8, $0xF;
	_ =	sdelay $0xb  }
0xa8: {  	(xrf0) =	vadd.scan.msk.s32 $0xffff, v6  }
0xa9: {  	v58 =	vld [tilespmem:$0x1000];
	_ =	sdelay $0x1  }
0xaa: {  	s19 =	spop (v2sf)  }
0xab: {  	s17 =	sadd.s32 s17, s19  }
0xac: {  	v7 =	vadd.s32 v7, v9;
	v59 =	vsub.s32 s17, v6  }
0xad: {  	v60, _, _ =	vpop (xrf0);
	v7 =	vadd.s32 v7, v59  }
0xae: {  	[tilespmem:$0x1230] =	vst v6;
	v61 =	vld [tilespmem:$0x1080];
	v7 =	vadd.s32 v60, v7  }
0xaf: {  	[tilespmem:$0x11B0] =	vst v7;
	v7 =	vld [tilespmem:$0x1010]  }
0xb0: {  	v6 =	vld.idx.msk [tilespmem:v58+s18+$0x0], $0xffff;
	_ =	sdelay $0x4  }
0xb1: {  	v6 =	vadd.s32 v6, v61  }
0xb2: {  	[tilespmem:$0x1100] =	vst v6  }
0xb3: {  	v6 =	vld.idx.msk [tilespmem:v7+s18+$0x0], $0xffff  }
0xb4: {  	v7 =	vld [tilespmem:$0x1020]  }
0xb5: {  	v62 =	vld [tilespmem:$0x1090];
	_ =	sdelay $0x4  }
0xb6: {  	v6 =	vadd.s32 v6, v62  }
0xb7: {  	[tilespmem:$0x1110] =	vst v6  }
0xb8: {  	v6 =	vld.idx.msk [tilespmem:v7+s18+$0x0], $0xffff  }
0xb9: {  	v7 =	vld [tilespmem:$0x1030]  }
0xba: {  	v63 =	vld [tilespmem:$0x10A0];
	_ =	sdelay $0x4  }
0xbb: {  	v6 =	vadd.s32 v6, v63  }
0xbc: {  	[tilespmem:$0x1120] =	vst v6  }
0xbd: {  	v6 =	vld.idx.msk [tilespmem:v7+s18+$0x0], $0xffff  }
0xbe: {  	v7 =	vld [tilespmem:$0x10B0];
	_ =	sdelay $0x4  }
0xbf: {  	v6 =	vadd.s32 v6, v7  }
.Ltmp6:
0xc0: {  	s28 =	simm.s32 $0x1100;
	[tilespmem:$0x1130] =	vst v6;
	(pc) =	sbr.rel @p0 .LBB2_11-.Ltmp6, $4  }
0xc1: {  	[hbm4b:s10+s4] =	stream.linear.scatter [tilespmem:s28], [sflag:$0x2], $0x40, $0x38;
	[tilespmem:$0xD800] =	vst v63  }
0xc2: {  	_ =	swait.ge [sflag:s15], $0x40  }
0xc3: {  	[sflag:s15] =	ssyncset.done $0x0  }
0xc4: {  	[sflag:s15] =	ssyncadd.s32 $0xFFFFFFC0  }
0xc5: {  	v6 =	vld [tilespmem:$0x1180]  }
0xc6: {  	v7 =	vld [tilespmem:$0x1200];
	_ =	sdelay $0x4  }
0xc7: {  	v8 =	vadd.s32 v7, v6  }
0xc8: {  	v8 =	vadd.s32 $0xFFFFFFFF, v8  }
0xc9: {  	v9 =	vshra.s32 v6, $0x1F;
	v10 =	vshra.s32 v8, $0x1F  }
0xca: {  	v9 =	vshrl.u32 v9, $0x19;
	v10 =	vshrl.u32 v10, $0x19  }
0xcb: {  	v6 =	vadd.s32 v9, v6;
	v8 =	vadd.s32 v10, v8  }
0xcc: {  	v6 =	vshra.s32 v6, $0x7;
	v8 =	vshra.s32 v8, $0x7  }
0xcd: {  	v8 =	vsub.s32 v8, v6  }
0xce: {  	vm0 =	vgt.s32 v7, $0x0;
	v7 =	vadd.s32 $0x1, v8  }
0xcf: {  	v7 =	vnsel vm0, $0x0, v7  }
0xd0: {  	(xrf0) =	vadd.scan.msk.s32 $0xffff, v7;
	_ =	sdelay $0x4  }
0xd1: {  	[tilespmem:$0x1380] =	vst v1  }
0xd2: {  	[tilespmem:$0x1390] =	vst v1;
	v16, _, _ =	vpop (xrf0)  }
0xd3: {  	[tilespmem:$0x13A0] =	vst v1;
	v7 =	vsub.s32 v16, v7  }
0xd4: {  	[tilespmem:$0x13B0] =	vst v1  }
0xd5: {  	[tilespmem:$0x13C0] =	vst v1  }
0xd6: {  	[tilespmem:$0x1280] =	vst v6  }
0xd7: {  	[tilespmem:$0x1300] =	vst v7  }
0xd8: {  	[tilespmem:v7+s20+$0x0] =	vst.idx.msk vm0, v0  }
0xd9: {  	v6 =	vld [tilespmem:$0x1190]  }
0xda: {  	v7 =	vld [tilespmem:$0x1210];
	_ =	sdelay $0x4  }
0xdb: {  	v17 =	vadd.s32 v7, v6  }
0xdc: {  	v9 =	vadd.s32 $0xFFFFFFFF, v17  }
0xdd: {  	v18 =	vshra.s32 v6, $0x1F;
	v11 =	vshra.s32 v9, $0x1F  }
0xde: {  	v10 =	vshrl.u32 v18, $0x19;
	v11 =	vshrl.u32 v11, $0x19  }
0xdf: {  	v6 =	vadd.s32 v10, v6;
	v9 =	vadd.s32 v11, v9  }
0xe0: {  	v6 =	vshra.s32 v6, $0x7;
	v9 =	vshra.s32 v9, $0x7  }
0xe1: {  	v9 =	vsub.s32 v9, v6  }
0xe2: {  	vm13 =	vgt.s32 v7, $0x0;
	v7 =	vadd.s32 $0x1, v9  }
0xe3: {  	v7 =	vnsel vm13, $0x0, v7  }
0xe4: {  	(xrf0) =	vadd.scan.msk.s32 $0xffff, v7;
	_ =	sdelay $0x5  }
0xe5: {  	v20 =	vbroadcast v16, $0xF;
	v19, _, _ =	vpop (xrf0)  }
0xe6: {  	v7 =	vsub.s32 v19, v7  }
0xe7: {  	v7 =	vadd.s32 v20, v7;
	_ =	sdelay $0x2  }
0xe8: {  	[tilespmem:$0x1290] =	vst v6  }
0xe9: {  	[tilespmem:$0x1310] =	vst v7  }
0xea: {  	[tilespmem:v7+s20+$0x0] =	vst.idx.msk vm13, v2  }
0xeb: {  	v6 =	vld [tilespmem:$0x11A0]  }
0xec: {  	v7 =	vld [tilespmem:$0x1220];
	_ =	sdelay $0x3  }
0xed: {  	(v2sf) =	vpush v16, $0xF  }
0xee: {  	(v2sf) =	vpush v19, $0xF;
	v21 =	vadd.s32 v7, v6  }
0xef: {  	v8 =	vadd.s32 $0xFFFFFFFF, v21  }
0xf0: {  	v22 =	vshra.s32 v6, $0x1F;
	v23 =	vshra.s32 v8, $0x1F  }
0xf1: {  	v9 =	vshrl.u32 v22, $0x19;
	v10 =	vshrl.u32 v23, $0x19  }
0xf2: {  	v6 =	vadd.s32 v9, v6;
	v8 =	vadd.s32 v10, v8  }
0xf3: {  	v6 =	vshra.s32 v6, $0x7;
	v8 =	vshra.s32 v8, $0x7  }
0xf4: {  	v8 =	vsub.s32 v8, v6  }
0xf5: {  	vm14 =	vgt.s32 v7, $0x0;
	v7 =	vadd.s32 $0x1, v8  }
0xf6: {  	v7 =	vnsel vm14, $0x0, v7  }
0xf7: {  	(xrf0) =	vadd.scan.msk.s32 $0xffff, v7;
	_ =	sdelay $0x4  }
0xf8: {  	s17 =	spop (v2sf)  }
0xf9: {  	s19 =	spop (v2sf);
	v24, _, _ =	vpop (xrf0)  }
0xfa: {  	s17 =	sadd.s32 s17, s19;
	v7 =	vsub.s32 v24, v7  }
0xfb: {  	v7 =	vadd.s32 s17, v7;
	_ =	sdelay $0x2  }
0xfc: {  	[tilespmem:$0x12A0] =	vst v6  }
0xfd: {  	[tilespmem:$0x1320] =	vst v7  }
0xfe: {  	[tilespmem:v7+s20+$0x0] =	vst.idx.msk vm14, v3  }
0xff: {  	v6 =	vld [tilespmem:$0x11B0]  }
0x100: {  	v7 =	vld [tilespmem:$0x1230];
	_ =	sdelay $0x4  }
0x101: {  	(v2sf) =	vpush v24, $0xF;
	v25 =	vadd.s32 v7, v6  }
0x102: {  	v8 =	vadd.s32 $0xFFFFFFFF, v25  }
0x103: {  	v26 =	vshra.s32 v6, $0x1F;
	v27 =	vshra.s32 v8, $0x1F  }
0x104: {  	v9 =	vshrl.u32 v26, $0x19;
	v10 =	vshrl.u32 v27, $0x19  }
0x105: {  	v6 =	vadd.s32 v9, v6;
	v8 =	vadd.s32 v10, v8  }
0x106: {  	v6 =	vshra.s32 v6, $0x7;
	v8 =	vshra.s32 v8, $0x7  }
0x107: {  	v8 =	vsub.s32 v8, v6  }
0x108: {  	vm15 =	vgt.s32 v7, $0x0;
	v7 =	vadd.s32 $0x1, v8  }
0x109: {  	v7 =	vnsel vm15, $0x0, v7  }
0x10a: {  	(xrf0) =	vadd.scan.msk.s32 $0xffff, v7;
	_ =	sdelay $0x5  }
0x10b: {  	s26 =	spop (v2sf);
	v28, _, _ =	vpop (xrf0)  }
0x10c: {  	s17 =	sadd.s32 s17, s26;
	v7 =	vsub.s32 v28, v7  }
0x10d: {  	v7 =	vadd.s32 s17, v7;
	_ =	sdelay $0x2  }
0x10e: {  	[tilespmem:$0x12B0] =	vst v6  }
0x10f: {  	[tilespmem:$0x1330] =	vst v7  }
0x110: {  	[tilespmem:v7+s20+$0x0] =	vst.idx.msk vm15, v4  }
0x111: {  	v6 =	vld [tilespmem:$0x1380];
	_ =	sdelay $0x4  }
0x112: {  	v6 =	vxor.u32 $0x80000000, v6  }
0x113: {  	(xrf0) =	vmax.scan.msk.u32 $0xffff, v6;
	_ =	sdelay $0x5  }
0x114: {  	v6, _, _ =	vpop (xrf0)  }
0x115: {  	v6 =	vxor.u32 $0x80000000, v6  }
0x116: {  	vm4 =	vgt.s32 v6, $0x0  }
0x117: {  	v7 =	vnsel vm4, $0x0, v6  }
0x118: {  	v6 =	vor.u32 $0x80000000, v7  }
0x119: {  	(xrf0) =	vmax.scan.msk.u32 $0xffff, v6;
	_ =	sdelay $0x5  }
0x11a: {  	(v2sf) =	vpush v28, $0xF;
	v6, _, _ =	vpop (xrf0)  }
0x11b: {  	(v2sf) =	vpush v6, $0xF;
	_ =	sdelay $0x2  }
0x11c: {  	v6 =	vld [tilespmem:$0x1390];
	_ =	sdelay $0x4  }
0x11d: {  	v6 =	vxor.u32 $0x80000000, v6  }
0x11e: {  	(xrf0) =	vmax.scan.msk.u32 $0xffff, v6;
	_ =	sdelay $0x4  }
0x11f: {  	s19 =	spop (v2sf)  }
0x120: {  	v6, _, _ =	vpop (xrf0);
	s26 =	spop (v2sf)  }
0x121: {  	v6 =	vxor.u32 $0x80000000, v6;
	s26 =	sxor.u32 $0x80000000, s26  }
0x122: {  	vm5 =	vgt.s32 v6, s26  }
0x123: {  	v29 =	vnsel vm5, s26, v6  }
0x124: {  	v6 =	vxor.u32 $0x80000000, v29  }
0x125: {  	(xrf0) =	vmax.scan.msk.u32 $0xffff, v6;
	_ =	sdelay $0x5  }
0x126: {  	v6, _, _ =	vpop (xrf0)  }
0x127: {  	(v2sf) =	vpush v6, $0xF;
	_ =	sdelay $0x2  }
0x128: {  	v6 =	vld [tilespmem:$0x13A0];
	_ =	sdelay $0x4  }
0x129: {  	v6 =	vxor.u32 $0x80000000, v6  }
0x12a: {  	(xrf0) =	vmax.scan.msk.u32 $0xffff, v6;
	_ =	sdelay $0x1  }
0x12b: {  	v30 =	vld.idx.msk [tilespmem:v7+s22+$0x0], $0xffff  }
0x12c: {  	v6 =	vld.idx.msk [tilespmem:v7+s21+$0x0], $0xffff;
	_ =	sdelay $0x1  }
0x12d: {  	v32 =	vld.idx.msk [tilespmem:v7+s18+$0x0], $0xffff  }
0x12e: {  	v12 =	vld.idx.msk [tilespmem:v7+s23+$0x0], $0xffff;
	v31, _, _ =	vpop (xrf0);
	s28 =	spop (v2sf)  }
0x12f: {  	v10 =	vxor.u32 $0x80000000, v31;
	s26 =	sxor.u32 $0x80000000, s28  }
0x130: {  	v6 =	vsub.s32 v6, v30;
	vm6 =	vgt.s32 v10, s26  }
0x131: {  	v9 =	vadd.s32 v0, v6;
	v10 =	vnsel vm6, s26, v10  }
0x132: {  	s17 =	sadd.s32 s17, s19;
	v14 =	vshll.u32 v9, $0x7;
	v13 =	vxor.u32 $0x80000000, v10  }
0x133: {  	v12 =	vadd.s32 v32, v12;
	v6 =	vmov s17;
	v33 =	vadd.s32 $0x80, v14;
	(xrf0) =	vmax.scan.msk.u32 $0xffff, v13  }
0x134: {  	vm1 =	vgt.s32 v6, v0;
	vm8 =	vlt.s32 v12, v33  }
0x135: {  	v7 =	vnsel vm1, $0x0, v7;
	v12 =	vsel vm8, v12, v33  }
0x136: {  	vm7 =	vgt.s32 v32, v14;
	[tilespmem:$0x1480] =	vst v7;
	v7 =	vnsel vm1, $0x0, v12  }
0x137: {  	v9 =	vnsel vm1, $0xF, v9;
	v11 =	vsel vm7, v32, v14  }
0x138: {  	[tilespmem:$0x1400] =	vst v9;
	v9 =	vshll.u32 v9, $0x7;
	v11 =	vnsel vm1, $0x0, v11  }
0x139: {  	vm9 =	veq.s32 v11, v9;
	[tilespmem:$0x1580] =	vst v7;
	v7, _, _ =	vpop (xrf0)  }
0x13a: {  	[tilespmem:$0x1500] =	vst v11;
	v9 =	vsel vm9, $0x1, v1;
	(v2sf) =	vpush v7, $0xF  }
0x13b: {  	v34 =	vld [tilespmem:$0x13B0];
	[tilespmem:$0x1600] =	vst v9  }
0x13c: {  	v9 =	vld.idx.msk [tilespmem:v29+s22+$0x0], $0xffff  }
0x13d: {  	v7 =	vld.idx.msk [tilespmem:v29+s21+$0x0], $0xffff;
	_ =	sdelay $0x2  }
0x13e: {  	v35 =	vld.idx.msk [tilespmem:v29+s18+$0x0], $0xffff;
	_ =	sdelay $0x1  }
0x13f: {  	v37 =	vxor.u32 $0x80000000, v34;
	v7 =	vsub.s32 v7, v9  }
0x140: {  	v36 =	vld.idx.msk [tilespmem:v29+s23+$0x0], $0xffff;
	(xrf0) =	vmax.scan.msk.u32 $0xffff, v37;
	v7 =	vadd.s32 v2, v7  }
0x141: {  	v38 =	vshll.u32 v7, $0x7  }
0x142: {  	vm11 =	vgt.s32 v6, v2;
	vm10 =	vgt.s32 v35, v38  }
0x143: {  	v7 =	vnsel vm11, $0xF, v7;
	v11 =	vsel vm10, v35, v38  }
0x144: {  	v8 =	vnsel vm11, $0x0, v29;
	[tilespmem:$0x1410] =	vst v7;
	v7 =	vshll.u32 v7, $0x7;
	v11 =	vnsel vm11, $0x0, v11  }
0x145: {  	v39 =	vadd.s32 v35, v36;
	v40 =	vadd.s32 $0x80, v38;
	vm13 =	veq.s32 v11, v7  }
0x146: {  	[tilespmem:$0x1490] =	vst v8;
	v42, _, _ =	vpop (xrf0);
	vm12 =	vlt.s32 v39, v40;
	v7 =	vsel vm13, $0x1, v1;
	s28 =	spop (v2sf)  }
0x147: {  	v9 =	vsel vm12, v39, v40;
	[tilespmem:$0x1610] =	vst v7;
	v7 =	vxor.u32 $0x80000000, v42;
	s17 =	sxor.u32 $0x80000000, s28  }
0x148: {  	v41 =	vnsel vm11, $0x0, v9;
	[tilespmem:$0x1510] =	vst v11;
	vm14 =	vgt.s32 v7, s17  }
0x149: {  	[tilespmem:$0x1590] =	vst v41;
	v7 =	vnsel vm14, s17, v7  }
0x14a: {  	v43 =	vld.idx.msk [tilespmem:v10+s21+$0x0], $0xffff;
	v45 =	vxor.u32 $0x80000000, v7  }
0x14b: {  	v44 =	vld.idx.msk [tilespmem:v10+s22+$0x0], $0xffff;
	(xrf0) =	vmax.scan.msk.u32 $0xffff, v45;
	_ =	sdelay $0x1  }
0x14c: {  	v46 =	vld.idx.msk [tilespmem:v10+s18+$0x0], $0xffff  }
0x14d: {  	v47 =	vld.idx.msk [tilespmem:v10+s23+$0x0], $0xffff;
	_ =	sdelay $0x1  }
0x14e: {  	v8 =	vsub.s32 v43, v44  }
0x14f: {  	vm4 =	vgt.s32 v6, v3;
	v8 =	vadd.s32 v3, v8;
	v49, _, _ =	vpop (xrf0)  }
0x150: {  	v10 =	vnsel vm4, $0x0, v10;
	v48 =	vshll.u32 v8, $0x7;
	(v2sf) =	vpush v49, $0xF  }
0x151: {  	v11 =	vadd.s32 v46, v47;
	vm15 =	vgt.s32 v46, v48;
	v50 =	vadd.s32 $0x80, v48  }
0x152: {  	[tilespmem:$0x14A0] =	vst v10;
	v8 =	vnsel vm4, $0xF, v8;
	v9 =	vsel vm15, v46, v48;
	vm5 =	vlt.s32 v11, v50  }
0x153: {  	v52 =	vld [tilespmem:$0x13C0];
	[tilespmem:$0x1420] =	vst v8;
	v8 =	vshll.u32 v8, $0x7;
	v11 =	vsel vm5, v11, v50;
	v9 =	vnsel vm4, $0x0, v9  }
0x154: {  	v51 =	vnsel vm4, $0x0, v11;
	vm6 =	veq.s32 v9, v8;
	[tilespmem:$0x1520] =	vst v9  }
0x155: {  	v53 =	vsel vm6, $0x1, v1;
	[tilespmem:$0x15A0] =	vst v51  }
0x156: {  	[tilespmem:$0x1620] =	vst v53  }
0x157: {  	v9 =	vld.idx.msk [tilespmem:v7+s21+$0x0], $0xffff  }
0x158: {  	v8 =	vxor.u32 $0x80000000, v52;
	v10 =	vld.idx.msk [tilespmem:v7+s22+$0x0], $0xffff  }
0x159: {  	(xrf0) =	vmax.scan.msk.u32 $0xffff, v8;
	v54 =	vld.idx.msk [tilespmem:v7+s18+$0x0], $0xffff  }
0x15a: {  	v55 =	vld.idx.msk [tilespmem:v7+s23+$0x0], $0xffff;
	_ =	sdelay $0x3  }
0x15b: {  	vm8 =	vgt.s32 v6, v4;
	v9 =	vsub.s32 v9, v10  }
0x15c: {  	v7 =	vnsel vm8, $0x0, v7;
	v57, _, _ =	vpop (xrf0);
	v8 =	vadd.s32 v54, v55;
	v9 =	vadd.s32 v4, v9;
	s19 =	spop (v2sf)  }
0x15d: {  	v12 =	vxor.u32 $0x80000000, v57;
	v56 =	vshll.u32 v9, $0x7;
	v9 =	vnsel vm8, $0xF, v9;
	s17 =	sxor.u32 $0x80000000, s19  }
0x15e: {  	vm7 =	vgt.s32 v54, v56;
	v10 =	vadd.s32 $0x80, v56;
	vm9 =	vgt.s32 v12, s17  }
0x15f: {  	[tilespmem:$0x14B0] =	vst v7;
	v11 =	vsel vm7, v54, v56;
	vm10 =	vlt.s32 v8, v10;
	v12 =	vnsel vm9, s17, v12  }
0x160: {  	[tilespmem:$0x1430] =	vst v9;
	v9 =	vshll.u32 v9, $0x7;
	v8 =	vsel vm10, v8, v10;
	v58 =	vnsel vm8, $0x0, v11  }
0x161: {  	v7 =	vnsel vm8, $0x0, v8;
	vm11 =	veq.s32 v58, v9;
	[tilespmem:$0x1530] =	vst v58  }
0x162: {  	v59 =	vsel vm11, $0x1, v1;
	[tilespmem:$0x15B0] =	vst v7  }
0x163: {  	[tilespmem:$0x1630] =	vst v59  }
0x164: {  	v7 =	vld.idx.msk [tilespmem:v12+s21+$0x0], $0xffff  }
0x165: {  	v8 =	vld.idx.msk [tilespmem:v12+s22+$0x0], $0xffff;
	_ =	sdelay $0x1  }
0x166: {  	v60 =	vld.idx.msk [tilespmem:v12+s18+$0x0], $0xffff  }
0x167: {  	v10 =	vld.idx.msk [tilespmem:v12+s23+$0x0], $0xffff;
	_ =	sdelay $0x1  }
0x168: {  	v7 =	vsub.s32 v7, v8  }
0x169: {  	vm13 =	vgt.s32 v6, v5;
	v7 =	vadd.s32 v5, v7  }
0x16a: {  	v63 =	vnsel vm13, $0x0, v12;
	v61 =	vshll.u32 v7, $0x7  }
0x16b: {  	v6 =	vadd.s32 v60, v10;
	vm12 =	vgt.s32 v60, v61;
	v62 =	vadd.s32 $0x80, v61  }
0x16c: {  	[tilespmem:$0x14C0] =	vst v63;
	v7 =	vnsel vm13, $0xF, v7;
	v8 =	vsel vm12, v60, v61;
	vm14 =	vlt.s32 v6, v62  }
0x16d: {  	[tilespmem:$0x1440] =	vst v7;
	v7 =	vshll.u32 v7, $0x7;
	v6 =	vsel vm14, v6, v62;
	v8 =	vnsel vm13, $0x0, v8  }
0x16e: {  	v6 =	vnsel vm13, $0x0, v6;
	vm15 =	veq.s32 v8, v7;
	[tilespmem:$0x1540] =	vst v8  }
0x16f: {  	v7 =	vsel vm15, $0x1, v1;
	[tilespmem:$0x15C0] =	vst v6  }
.Ltmp7:
0x170: {  	s26 =	rddreg [dreg:$0x3];
	s28 =	simm.s32 $0x1400;
	[tilespmem:$0x1640] =	vst v7;
	(pc) =	sbr.rel .LBB2_11-.Ltmp7, $4  }
0x171: {  	[hbm4b:s26+s4] =	stream.linear.scatter [tilespmem:s28], [sflag:$0x2], $0x280, $0x38;
	[tilespmem:$0xD800] =	vst v63  }
0x172: {  	_ =	swait.ge [sflag:s15], $0x280  }
0x173: {  	[sflag:s15] =	ssyncset.done $0x0  }
0x174: {  	[sflag:s15] =	ssyncadd.s32 $0xFFFFFD80  }
.LBB2_12:
0x175: {  	_ =	sfence.sel $0x180000  }
0x176: {  	[bflag:$0x0] =	sbarrier.arrive $0xFFFF  }
0x177: {  	_ =	strace $0x9000004A  }
0x178: {  	s0 =	stileid.u32;
	[bflag:$0x2] =	sbarrier.arrive $0xFFFF  }
0x179: {  	p0 =	sne.s32 s0, $0x0;
	s0 =	rddreg [dreg:$0x2]  }
0x17a: {  	s0 =	sadd.s32 @!p0 $0x100000, s0  }
0x17b: {  	[sflag:s0] =	ssyncadd.tile.s32 @!p0 $0x1;
	_ =	shalt  }
.Lfunc_end2:
_tile_overlayer_lowered:
.L_overlay_start_2:
0x17c: {  	(tag) =	ssettag $0x2  }
0x17d: {  	s0 =	rddreg [dreg:$0x0];
	s2 =	stileid.u32  }
0x17e: {  	s1 =	rddreg [dreg:$0x1];
	p0 =	sne.s32 s2, $0x0  }
0x17f: {  	s3 =	rddreg [dreg:$0x2];
	[bflag:$0x3] =	sbarrier.arrive $0xFFFF;
	s2 =	simm.s32 @!p0 $0x1C02  }
0x180: {  	[timem:s3], [sflag:s2] =	dma.local @!p0 [hbm:s0], s1  }
0x181: {  	s0 =	simm.s32 @!p0 $0x2  }
0x182: {  	_ =	swait.ge @!p0 [sflag:s0], s1  }
0x183: {  	s1 =	ssub.s32 @!p0 $0x0, s1;
	[sflag:s0] =	ssyncset.done @!p0 $0x0  }
0x184: {  	[sflag:s0] =	ssyncadd.s32 @!p0 s1  }
0x185: {  	[bflag:$0x3] =	sbarrier.arrive $0xFFFF  }
0x186: {  	_ =	shalt  }

// kernel: kernel.13.cloned.1.call-start
scs
__scs_entry_jumppad:
0x0: {  	(pc) =	sbr.rel $0x88, $3  }
0x1: {  	(tag) =	ssettag $0x0;
	lr =	simm.s32 $0x1  }
0x2: {  	[smem:$0x3F98] =	sst lr;
	_ =	strace $0xD0000000  }
0x3: {  	_ = 	snop  }
0x4: {  	_ = 	snop  }
0x5: {  	_ = 	snop  }
0x6: {  	_ = 	snop  }
0x7: {  	_ = 	snop  }
__scs_overlays_trampoline_lowered:
0x8: {  	[smem:$0x3FA7] =	sst s0  }
0x9: {  	[smem:$0x3FA8] =	sst s1  }
0xa: {  	[smem:$0x3FA9] =	sst s2  }
0xb: {  	[smem:$0x3FAA] =	sst s3  }
0xc: {  	[smem:$0x3FAB] =	sst s4  }
0xd: {  	[smem:$0x3FAC] =	sst s5  }
0xe: {  	[smem:$0x3FAD] =	sst s6  }
0xf: {  	[smem:$0x3FAE] =	sst s7  }
0x10: {  	[smem:$0x3FAF] =	sst s8  }
0x11: {  	[smem:$0x3FB0] =	sst s9;
	s0 =	simm.s32 @!p0 $0x0  }
0x12: {  	s1 =	sld [smem:$0x3F96];
	s0 =	simm.s32 @p0 $0x1  }
0x13: {  	[smem:$0x3FB1] =	sst s0;
	s0 =	simm.s32 @!p1 $0x0  }
0x14: {  	s2 =	sld [smem:$0x3F95];
	s0 =	simm.s32 @p1 $0x1  }
0x15: {  	[smem:$0x3FB2] =	sst s0;
	s0 =	simm.s32 @!p2 $0x0  }
0x16: {  	s3 =	sld [smem:$0x3FDB];
	s0 =	simm.s32 @p2 $0x1  }
0x17: {  	s4 =	simm.s32 $0x1BF5;
	[smem:$0x3FB4] =	sst s0  }
0x18: {  	s0 =	sld [smem:$0x3F97];
	_ =	swait.ge [sflag:s4], $0x0  }
0x19: {  	s7 =	sld [smem:$0x3F98]  }
0x1a: {  	s8 =	sadd.s32 $0xFFFFE003, lr  }
0x1b: {  	s9 =	sadd.s32 $0xFFFFFEF7, lr;
	s5 =	simm.s32 $0xFFFFFFFF;
	p2 =	slt.u32 s8, $0xFFFFF086  }
0x1c: {  	p1 =	slt.u32 s9, $0xF7A;
	s5 =	simm.s32 @!p2 $0x0  }
0x1d: {  	s5 =	simm.s32 @p1 $0x1;
	p0 =	seq.s32 s7, s2  }
0x1e: {  	s7 =	smul.u32 @!p0 $0xF7A, s2;
	p2 =	seq.s32 @!p0 s5, $0x0  }
0x1f: {  	s9 =	smul.u32 $0xF7A, s1;
	s8 =	simm.s32 @!p0 $0x1BF5;
	p2 =	por !p2, p0  }
0x20: {  	[sflag:s8] =	ssyncset.s32 @!p0 $0xFFFFF086;
	s6 =	sadd.s32 @!p0 s3, s7;
	s7 =	simm.s32 @!p0 $0x108  }
0x21: {  	s3 =	sadd.s32 s3, s9;
	s6 =	sadd.s32 @!p0 $0x88, s6;
	s7 =	simm.s32 @p2 $0x1082  }
0x22: {  	[simem:s7], [sflag:s8] =	dma.local @!p0 [hbm:s6], $0xF7A  }
0x23: {  	s9 =	sor.u32 $0xD0000000, s2;
	s6 =	simm.s32 $0x108;
	_ =	swait.ge @!p0 [sflag:s8], $0x0  }
0x24: {  	s3 =	sadd.s32 $0x88, s3;
	s6 =	simm.s32 @!p1 $0x1082;
	[sflag:s4] =	ssyncset.s32 $0xFFFFF086  }
0x25: {  	[simem:s6], [sflag:s4] =	dma.local [hbm:s3], $0xF7A  }
0x26: {  	[smem:$0x3F98] =	sst s1;
	(tag) =	ssettag s2;
	_ =	strace s9  }
0x27: {  	s1 =	sld [smem:$0x3FA8]  }
0x28: {  	s2 =	sld [smem:$0x3FA9]  }
0x29: {  	s4 =	sld [smem:$0x3FAB]  }
0x2a: {  	p0 =	seq.s32 s5, $0x0;
	s5 =	sld [smem:$0x3FAC]  }
0x2b: {  	s6 =	sld [smem:$0x3FAD]  }
0x2c: {  	s7 =	sld [smem:$0x3FAE]  }
0x2d: {  	s3 =	simm.s32 $0x108;
	s8 =	sld [smem:$0x3FAF]  }
0x2e: {  	s3 =	simm.s32 @!p0 $0x1082;
	s9 =	sld [smem:$0x3FB0]  }
0x2f: {  	lr =	sadd.s32 s0, s3;
	s0 =	sld [smem:$0x3FA7]  }
0x30: {  	s3 =	sld [smem:$0x3FAA]  }
0x31: {  	[smem:$0x3FB3] =	sst s10  }
0x32: {  	s10 =	sld [smem:$0x3FB1];
	_ =	sdelay $0x3  }
0x33: {  	p0 =	seq.s32 s10, $0x1;
	s10 =	sld [smem:$0x3FB3];
	_ =	sdelay $0x3  }
0x34: {  	[smem:$0x3FB3] =	sst s10  }
0x35: {  	s10 =	sld [smem:$0x3FB2];
	_ =	sdelay $0x3  }
0x36: {  	p1 =	seq.s32 s10, $0x1;
	s10 =	sld [smem:$0x3FB3];
	_ =	sdelay $0x3  }
0x37: {  	[smem:$0x3FB3] =	sst s10  }
0x38: {  	s10 =	sld [smem:$0x3FB4]  }
0x39: {  	_ = 	snop;
	(pc) =	sbr.ind lr, $3  }
0x3a: {  	_ = 	snop  }
0x3b: {  	_ = 	snop  }
0x3c: {  	p2 =	seq.s32 s10, $0x1;
	s10 =	sld [smem:$0x3FB3]  }
0x3d: {  	_ =	shalt  }
0x3e: {  	_ =	shalt  }
0x3f: {  	_ =	shalt  }
0x40: {  	_ =	shalt  }
0x41: {  	_ =	shalt  }
0x42: {  	_ =	shalt  }
0x43: {  	_ =	shalt  }
0x44: {  	_ =	shalt  }
0x45: {  	_ =	shalt  }
0x46: {  	_ =	shalt  }
0x47: {  	_ =	shalt  }
0x48: {  	_ =	shalt  }
0x49: {  	_ =	shalt  }
0x4a: {  	_ =	shalt  }
0x4b: {  	_ =	shalt  }
0x4c: {  	_ =	shalt  }
0x4d: {  	_ =	shalt  }
0x4e: {  	_ =	shalt  }
0x4f: {  	_ =	shalt  }
0x50: {  	_ =	shalt  }
0x51: {  	_ =	shalt  }
0x52: {  	_ =	shalt  }
0x53: {  	_ =	shalt  }
0x54: {  	_ =	shalt  }
0x55: {  	_ =	shalt  }
0x56: {  	_ =	shalt  }
0x57: {  	_ =	shalt  }
0x58: {  	_ =	shalt  }
0x59: {  	_ =	shalt  }
0x5a: {  	_ =	shalt  }
0x5b: {  	_ =	shalt  }
0x5c: {  	_ =	shalt  }
0x5d: {  	_ =	shalt  }
0x5e: {  	_ =	shalt  }
0x5f: {  	_ =	shalt  }
0x60: {  	_ =	shalt  }
0x61: {  	_ =	shalt  }
0x62: {  	_ =	shalt  }
0x63: {  	_ =	shalt  }
0x64: {  	_ =	shalt  }
0x65: {  	_ =	shalt  }
0x66: {  	_ =	shalt  }
0x67: {  	_ =	shalt  }
0x68: {  	_ =	shalt  }
0x69: {  	_ =	shalt  }
0x6a: {  	_ =	shalt  }
0x6b: {  	_ =	shalt  }
0x6c: {  	_ =	shalt  }
0x6d: {  	_ =	shalt  }
0x6e: {  	_ =	shalt  }
0x6f: {  	_ =	shalt  }
0x70: {  	_ =	shalt  }
0x71: {  	_ =	shalt  }
0x72: {  	_ =	shalt  }
0x73: {  	_ =	shalt  }
0x74: {  	_ =	shalt  }
0x75: {  	_ =	shalt  }
0x76: {  	_ =	shalt  }
0x77: {  	_ =	shalt  }
0x78: {  	_ =	shalt  }
0x79: {  	_ =	shalt  }
0x7a: {  	_ =	shalt  }
0x7b: {  	_ =	shalt  }
0x7c: {  	_ =	shalt  }
0x7d: {  	_ =	shalt  }
0x7e: {  	_ =	shalt  }
0x7f: {  	_ =	shalt  }
0x80: {  	_ =	shalt  }
0x81: {  	_ =	shalt  }
0x82: {  	_ =	shalt  }
0x83: {  	_ =	shalt  }
0x84: {  	_ =	shalt  }
0x85: {  	_ =	shalt  }
0x86: {  	_ =	shalt  }
0x87: {  	_ =	shalt  }
.Lfunc_end0:
.L_simem_size_0:
called_computation.2_lowered:
.L_overlay_start_0:
0x88: {  	s2 =	sld [smem:$0x3FD9]  }
0x89: {  	s3 =	sld [smem:$0x3FFE];
	_ =	sdelay $0x1  }
0x8a: {  	s1 =	srdreg.scid  }
0x8b: {  	s0 =	sand.u32 $0x1, s1  }
0x8c: {  	s17 =	sshll.u32 s0, $0xA;
	s2 =	sadd.s32 s3, s2  }
0x8d: {  	s2 =	sadd.s32 s2, s17  }
0x8e: {  	[smem:$0x3FBF] =	sst s2  }
0x8f: {  	_ = 	snop  }
0x90: {  	s2 =	sld [smem:$0x3FD0];
	(tm) =	ssettm $0x1  }
0x91: {  	s18 =	sld [smem:$0x3FFB];
	_ =	sdelay $0x3  }
0x92: {  	_ =	strace s18  }
0x93: {  	s3 =	sld [smem:$0x3FFC];
	_ =	sdelay $0x3  }
0x94: {  	_ =	strace s3  }
0x95: {  	s3 =	sld [smem:$0x3FFD];
	_ =	sdelay $0x3  }
0x96: {  	_ =	strace s3  }
0x97: {  	_ =	strace $0x8FFFFFFF  }
0x98: {  	s19 =	sld [smem:$0x3FDB];
	_ =	sdelay $0x1  }
0x99: {  	s4 =	simm.s32 $_scs_section_size  }
0x9a: {  	s5 =	simm.s32 $_size__tile_overlayer_lowered;
	s6 =	simm.s32 $_tile_overlayer_lowered  }
0x9b: {  	s22 =	simm.s32 $0x1BFF;
	s21 =	sshll.u32 s6, $0x1;
	s3 =	sadd.s32 s4, s19  }
0x9c: {  	s7 =	simm.s32 $0x0;
	s20 =	sshll.u32 s5, $0x1;
	s5 =	sadd.s32 s21, s3  }
0x9d: {  	[timem:s7], [sflag:s22] =	dma.local [hbm:s5], s20  }
0x9e: {  	_ =	swait.ge [sflag:s22], s20  }
0x9f: {  	s4 =	ssub.s32 $0x0, s20;
	[sflag:s22] =	ssyncset.done $0x0  }
0xa0: {  	[sflag:s22] =	ssyncadd.s32 s4;
	_ =	sdelay $0x1  }
0xa1: {  	s23 =	simm.s32 $0x1B8B  }
0xa2: {  	_ =	swait.ge [sflag:s23], $0x1  }
0xa3: {  	[sflag:s23] =	ssyncset.done $0x0  }
0xa4: {  	s25 =	simm.s32 $0x1B8E;
	s24 =	sld [smem:$0x3FFE];
	[sflag:s23] =	ssyncadd.s32 $0xFFFFFFFF  }
0xa5: {  	s26 =	simm.s32 $execute0_lowered;
	[smem:$0x3FD2] =	sst s25  }
0xa6: {  	s5 =	sshll.u32 s26, $0x1;
	_ =	strace $0x8000004C;
	[dreg:$0x1] =	wrdreg $0xFFFFFFFF  }
0xa7: {  	s28 =	simm.s32 $_size_execute0_lowered;
	s3 =	sadd.s32 s3, s5;
	[dreg:$0x0] =	wrdreg $0x0  }
0xa8: {  	s5 =	sshll.u32 s28, $0x1;
	[dreg:$0x2] =	wrdreg s3  }
0xa9: {  	[dreg:$0x3] =	wrdreg s5  }
0xaa: {  	[dreg:$0x4] =	wrdreg $0xC0  }
0xab: {  	_ =	task [dreg:s7], $0x5FFFF  }
0xac: {  	[dreg:$0x1] =	wrdreg $0xFFFFFFFF  }
0xad: {  	[dreg:$0x0] =	wrdreg $0x60  }
0xae: {  	[dreg:$0x2] =	wrdreg s24  }
0xaf: {  	[dreg:$0x3] =	wrdreg s2  }
0xb0: {  	[dreg:$0x4] =	wrdreg $0x9  }
0xb1: {  	_ =	task.clear_ibuf [dreg:s7], $0x5FFFF;
	_ =	strace $0x9000004C  }
0xb2: {  	s29 =	simm.s32 $0x9;
	_ =	strace $0x8000004E  }
0xb3: {  	_ =	swait.ge [sflag:s29], $0x1  }
0xb4: {  	[sflag:s29] =	ssyncadd.s32 $0xFFFFFFFF  }
0xb5: {  	_ =	strace $0x9000004E  }
0xb6: {  	_ =	sfence  }
0xb7: {  	s30 =	sld [smem:$0x0];
	_ =	sdelay $0x2  }
0xb8: {  	s31 =	sshll.u32 s1, $0xD;
	s1 =	sshrl.u32 s1, $0x2  }
0xb9: {  	s3 =	sand.u32 $0x4000, s31;
	s1 =	sadd.s32 s1, s30  }
0xba: {  	s0 =	sor.u32 s3, s0;
	s1 =	sshll.u32 s1, $0x11  }
0xbb: {  	s0 =	sor.u32 s1, s0  }
0xbc: {  	s0 =	sadd.s32 $0x8F2B, s0  }
0xbd: {  	[sflag:s0] =	ssyncadd.remote.s32 $0x1  }
0xbe: {  	_ =	sfence.sel $0xFFFF  }
0xbf: {  	[dreg:$0x0] =	wrdreg $0xFFFFFFFF;
	(pc) =	sbr.abs _section_cstart, $3  }
0xc0: {  	[dreg:$0x1] =	wrdreg $0xFFFFFFFF  }
0xc1: {  	_ =	task.clear_ibuf [dreg:s7], $0x2FFFF;
	_ =	strace $0x9FFFFFFF  }
0xc2: {  	(tm) =	ssettm $0x7FFFFFFF  }
0xc3: {  	_ =	shalt  }
tec
execute0_lowered:
.L_overlay_start_1:
0x0: {  	(tag) =	ssettag $0x1  }
0x1: {  	s1 =	srdreg.scid  }
0x2: {  	s0 =	stileid.u32;
	s6 =	sand.u32 $0x1, s1  }
0x3: {  	s5 =	rddreg [dreg:$0x0];
	s30 =	sshll.u32 s0, $0x7;
	s2 =	sshll.u32 s6, $0x6  }
0x4: {  	s9 =	rddreg [dreg:$0x1];
	s7 =	simm.s32 $0x80;
	s10 =	sor.u32 s2, s30  }
0x5: {  	s1 =	rddreg [dreg:$0x2];
	s2 =	simm.s32 $0x0;
	s3 =	sshrl.u32 s10, $0x3  }
0x6: {  	s11 =	ssub.s32 $0x2, s6;
	[smem:$0x7FF] =	sst s2;
	s3 =	sadd.s32 s3, s5  }
0x7: {  	_ =	strace $0x8000004D;
	s4 =	sadd.s32 $0x63600, s3;
	s3 =	simm.s32 $0x2  }
0x8: {  	[tilespmem:s2], [sflag:$0x2] =	stream.linear.gather [hbm4b:s4+s2], $0x40, $0x38;
	[tilespmem:$0x2080] =	vst v63  }
0x9: {  	s8 =	simm.s32 $0x1;
	s12 =	sshrl.u32 s11, $0x1;
	_ =	swait.ge [sflag:s3], $0x40  }
0xa: {  	s6 =	simm.s32 $0x40;
	s11 =	ssub.s32 s11, s12;
	[sflag:s3] =	ssyncset.done $0x0  }
0xb: {  	s5 =	sadd.s32 $0x3000, s5;
	s31 =	smax.u32 s11, $0x1;
	[sflag:s3] =	ssyncadd.s32 $0xFFFFFFC0  }
0xc: {  	[tilespmem:s7], [sflag:$0x1] =	stream.indirect.gather [hbm4b:s5+s6], $0x80, s2, s6, $0xb8;
	[tilespmem:$0x2080] =	vst v63  }
0xd: {  	p0 =	sne.s32 s31, $0x1;
	_ =	swait.ge [sflag:s8], $0x2000  }
.Ltmp0:
0xe: {  	s10 =	sshll.u32 s10, $0x4;
	[sflag:s8] =	ssyncset.done $0x0;
	(pc) =	sbr.rel @!p0 .LBB2_2-.Ltmp0, $4  }
0xf: {  	s9 =	sadd.s32 s9, s10;
	[sflag:s8] =	ssyncadd.s32 $0xFFFFE000  }
0x10: {  	[hbm4b:s9+s2] =	stream.linear.scatter [tilespmem:s7], [sflag:$0x2], $0x2000, $0x38;
	[tilespmem:$0x2080] =	vst v63  }
0x11: {  	_ =	swait.ge [sflag:s3], $0x2000  }
0x12: {  	s10 =	sadd.s32 $0xFFFFFFFF, s31;
	[sflag:s3] =	ssyncset.done $0x0  }
.LBB2_1:
0x13: {  	p0 =	sne.s32 s10, $0x1;
	s10 =	sadd.s32 $0xFFFFFFFF, s10;
	[sflag:s3] =	ssyncadd.s32 $0xFFFFE000  }
0x14: {  	[tilespmem:s2], [sflag:$0x2] =	stream.linear.gather [hbm4b:s4+s2], $0x40, $0x38;
	[tilespmem:$0x2080] =	vst v63  }
0x15: {  	_ =	swait.ge [sflag:s3], $0x40  }
0x16: {  	[sflag:s3] =	ssyncset.done $0x0  }
0x17: {  	[sflag:s3] =	ssyncadd.s32 $0xFFFFFFC0  }
0x18: {  	[tilespmem:s7], [sflag:$0x1] =	stream.indirect.gather [hbm4b:s5+s6], $0x80, s2, s6, $0xb8;
	[tilespmem:$0x2080] =	vst v63  }
0x19: {  	_ =	swait.ge [sflag:s8], $0x2000  }
.Ltmp1:
0x1a: {  	[sflag:s8] =	ssyncset.done $0x0;
	(pc) =	sbr.rel @p0 .LBB2_1-.Ltmp1, $4  }
0x1b: {  	[sflag:s8] =	ssyncadd.s32 $0xFFFFE000  }
0x1c: {  	[hbm4b:s9+s2] =	stream.linear.scatter [tilespmem:s7], [sflag:$0x2], $0x2000, $0x38;
	[tilespmem:$0x2080] =	vst v63  }
0x1d: {  	_ =	swait.ge [sflag:s3], $0x2000  }
0x1e: {  	[sflag:s3] =	ssyncset.done $0x0  }
.LBB2_2:
0x1f: {  	[sflag:s3] =	ssyncadd.s32 $0xFFFFE000  }
0x20: {  	_ =	sfence.sel $0x180000  }
0x21: {  	[bflag:$0x0] =	sbarrier.arrive $0xFFFF  }
0x22: {  	p0 =	sne.s32 s0, $0x0;
	_ =	strace $0x9000004D  }
0x23: {  	s0 =	sadd.s32 @!p0 $0x100000, s1;
	[bflag:$0x2] =	sbarrier.arrive $0xFFFF  }
0x24: {  	[sflag:s0] =	ssyncadd.tile.s32 @!p0 $0x1;
	_ =	shalt  }
.Lfunc_end2:
_tile_overlayer_lowered:
.L_overlay_start_2:
0x25: {  	(tag) =	ssettag $0x2  }
0x26: {  	s0 =	rddreg [dreg:$0x0];
	s2 =	stileid.u32  }
0x27: {  	s1 =	rddreg [dreg:$0x1];
	p0 =	sne.s32 s2, $0x0  }
0x28: {  	s3 =	rddreg [dreg:$0x2];
	[bflag:$0x3] =	sbarrier.arrive $0xFFFF;
	s2 =	simm.s32 @!p0 $0x1C02  }
0x29: {  	[timem:s3], [sflag:s2] =	dma.local @!p0 [hbm:s0], s1  }
0x2a: {  	s0 =	simm.s32 @!p0 $0x2  }
0x2b: {  	_ =	swait.ge @!p0 [sflag:s0], s1  }
0x2c: {  	s1 =	ssub.s32 @!p0 $0x0, s1;
	[sflag:s0] =	ssyncset.done @!p0 $0x0  }
0x2d: {  	[sflag:s0] =	ssyncadd.s32 @!p0 s1  }
0x2e: {  	[bflag:$0x3] =	sbarrier.arrive $0xFFFF  }
0x2f: {  	_ =	shalt  }

// kernel: kernel.7.cloned.1.call-start
scs
__scs_entry_jumppad:
0x0: {  	(pc) =	sbr.rel $0x88, $3  }
0x1: {  	(tag) =	ssettag $0x0;
	lr =	simm.s32 $0x1  }
0x2: {  	[smem:$0x3F98] =	sst lr;
	_ =	strace $0xD0000000  }
0x3: {  	_ = 	snop  }
0x4: {  	_ = 	snop  }
0x5: {  	_ = 	snop  }
0x6: {  	_ = 	snop  }
0x7: {  	_ = 	snop  }
__scs_overlays_trampoline_lowered:
0x8: {  	[smem:$0x3FA7] =	sst s0  }
0x9: {  	[smem:$0x3FA8] =	sst s1  }
0xa: {  	[smem:$0x3FA9] =	sst s2  }
0xb: {  	[smem:$0x3FAA] =	sst s3  }
0xc: {  	[smem:$0x3FAB] =	sst s4  }
0xd: {  	[smem:$0x3FAC] =	sst s5  }
0xe: {  	[smem:$0x3FAD] =	sst s6  }
0xf: {  	[smem:$0x3FAE] =	sst s7  }
0x10: {  	[smem:$0x3FAF] =	sst s8  }
0x11: {  	[smem:$0x3FB0] =	sst s9;
	s0 =	simm.s32 @!p0 $0x0  }
0x12: {  	s1 =	sld [smem:$0x3F96];
	s0 =	simm.s32 @p0 $0x1  }
0x13: {  	[smem:$0x3FB1] =	sst s0;
	s0 =	simm.s32 @!p1 $0x0  }
0x14: {  	s2 =	sld [smem:$0x3F95];
	s0 =	simm.s32 @p1 $0x1  }
0x15: {  	[smem:$0x3FB2] =	sst s0;
	s0 =	simm.s32 @!p2 $0x0  }
0x16: {  	s3 =	sld [smem:$0x3FDB];
	s0 =	simm.s32 @p2 $0x1  }
0x17: {  	s4 =	simm.s32 $0x1BF5;
	[smem:$0x3FB4] =	sst s0  }
0x18: {  	s0 =	sld [smem:$0x3F97];
	_ =	swait.ge [sflag:s4], $0x0  }
0x19: {  	s7 =	sld [smem:$0x3F98]  }
0x1a: {  	s8 =	sadd.s32 $0xFFFFE003, lr  }
0x1b: {  	s9 =	sadd.s32 $0xFFFFFEF7, lr;
	s5 =	simm.s32 $0xFFFFFFFF;
	p2 =	slt.u32 s8, $0xFFFFF086  }
0x1c: {  	p1 =	slt.u32 s9, $0xF7A;
	s5 =	simm.s32 @!p2 $0x0  }
0x1d: {  	s5 =	simm.s32 @p1 $0x1;
	p0 =	seq.s32 s7, s2  }
0x1e: {  	s7 =	smul.u32 @!p0 $0xF7A, s2;
	p2 =	seq.s32 @!p0 s5, $0x0  }
0x1f: {  	s9 =	smul.u32 $0xF7A, s1;
	s8 =	simm.s32 @!p0 $0x1BF5;
	p2 =	por !p2, p0  }
0x20: {  	[sflag:s8] =	ssyncset.s32 @!p0 $0xFFFFF086;
	s6 =	sadd.s32 @!p0 s3, s7;
	s7 =	simm.s32 @!p0 $0x108  }
0x21: {  	s3 =	sadd.s32 s3, s9;
	s6 =	sadd.s32 @!p0 $0x88, s6;
	s7 =	simm.s32 @p2 $0x1082  }
0x22: {  	[simem:s7], [sflag:s8] =	dma.local @!p0 [hbm:s6], $0xF7A  }
0x23: {  	s9 =	sor.u32 $0xD0000000, s2;
	s6 =	simm.s32 $0x108;
	_ =	swait.ge @!p0 [sflag:s8], $0x0  }
0x24: {  	s3 =	sadd.s32 $0x88, s3;
	s6 =	simm.s32 @!p1 $0x1082;
	[sflag:s4] =	ssyncset.s32 $0xFFFFF086  }
0x25: {  	[simem:s6], [sflag:s4] =	dma.local [hbm:s3], $0xF7A  }
0x26: {  	[smem:$0x3F98] =	sst s1;
	(tag) =	ssettag s2;
	_ =	strace s9  }
0x27: {  	s1 =	sld [smem:$0x3FA8]  }
0x28: {  	s2 =	sld [smem:$0x3FA9]  }
0x29: {  	s4 =	sld [smem:$0x3FAB]  }
0x2a: {  	p0 =	seq.s32 s5, $0x0;
	s5 =	sld [smem:$0x3FAC]  }
0x2b: {  	s6 =	sld [smem:$0x3FAD]  }
0x2c: {  	s7 =	sld [smem:$0x3FAE]  }
0x2d: {  	s3 =	simm.s32 $0x108;
	s8 =	sld [smem:$0x3FAF]  }
0x2e: {  	s3 =	simm.s32 @!p0 $0x1082;
	s9 =	sld [smem:$0x3FB0]  }
0x2f: {  	lr =	sadd.s32 s0, s3;
	s0 =	sld [smem:$0x3FA7]  }
0x30: {  	s3 =	sld [smem:$0x3FAA]  }
0x31: {  	[smem:$0x3FB3] =	sst s10  }
0x32: {  	s10 =	sld [smem:$0x3FB1];
	_ =	sdelay $0x3  }
0x33: {  	p0 =	seq.s32 s10, $0x1;
	s10 =	sld [smem:$0x3FB3];
	_ =	sdelay $0x3  }
0x34: {  	[smem:$0x3FB3] =	sst s10  }
0x35: {  	s10 =	sld [smem:$0x3FB2];
	_ =	sdelay $0x3  }
0x36: {  	p1 =	seq.s32 s10, $0x1;
	s10 =	sld [smem:$0x3FB3];
	_ =	sdelay $0x3  }
0x37: {  	[smem:$0x3FB3] =	sst s10  }
0x38: {  	s10 =	sld [smem:$0x3FB4]  }
0x39: {  	_ = 	snop;
	(pc) =	sbr.ind lr, $3  }
0x3a: {  	_ = 	snop  }
0x3b: {  	_ = 	snop  }
0x3c: {  	p2 =	seq.s32 s10, $0x1;
	s10 =	sld [smem:$0x3FB3]  }
0x3d: {  	_ =	shalt  }
0x3e: {  	_ =	shalt  }
0x3f: {  	_ =	shalt  }
0x40: {  	_ =	shalt  }
0x41: {  	_ =	shalt  }
0x42: {  	_ =	shalt  }
0x43: {  	_ =	shalt  }
0x44: {  	_ =	shalt  }
0x45: {  	_ =	shalt  }
0x46: {  	_ =	shalt  }
0x47: {  	_ =	shalt  }
0x48: {  	_ =	shalt  }
0x49: {  	_ =	shalt  }
0x4a: {  	_ =	shalt  }
0x4b: {  	_ =	shalt  }
0x4c: {  	_ =	shalt  }
0x4d: {  	_ =	shalt  }
0x4e: {  	_ =	shalt  }
0x4f: {  	_ =	shalt  }
0x50: {  	_ =	shalt  }
0x51: {  	_ =	shalt  }
0x52: {  	_ =	shalt  }
0x53: {  	_ =	shalt  }
0x54: {  	_ =	shalt  }
0x55: {  	_ =	shalt  }
0x56: {  	_ =	shalt  }
0x57: {  	_ =	shalt  }
0x58: {  	_ =	shalt  }
0x59: {  	_ =	shalt  }
0x5a: {  	_ =	shalt  }
0x5b: {  	_ =	shalt  }
0x5c: {  	_ =	shalt  }
0x5d: {  	_ =	shalt  }
0x5e: {  	_ =	shalt  }
0x5f: {  	_ =	shalt  }
0x60: {  	_ =	shalt  }
0x61: {  	_ =	shalt  }
0x62: {  	_ =	shalt  }
0x63: {  	_ =	shalt  }
0x64: {  	_ =	shalt  }
0x65: {  	_ =	shalt  }
0x66: {  	_ =	shalt  }
0x67: {  	_ =	shalt  }
0x68: {  	_ =	shalt  }
0x69: {  	_ =	shalt  }
0x6a: {  	_ =	shalt  }
0x6b: {  	_ =	shalt  }
0x6c: {  	_ =	shalt  }
0x6d: {  	_ =	shalt  }
0x6e: {  	_ =	shalt  }
0x6f: {  	_ =	shalt  }
0x70: {  	_ =	shalt  }
0x71: {  	_ =	shalt  }
0x72: {  	_ =	shalt  }
0x73: {  	_ =	shalt  }
0x74: {  	_ =	shalt  }
0x75: {  	_ =	shalt  }
0x76: {  	_ =	shalt  }
0x77: {  	_ =	shalt  }
0x78: {  	_ =	shalt  }
0x79: {  	_ =	shalt  }
0x7a: {  	_ =	shalt  }
0x7b: {  	_ =	shalt  }
0x7c: {  	_ =	shalt  }
0x7d: {  	_ =	shalt  }
0x7e: {  	_ =	shalt  }
0x7f: {  	_ =	shalt  }
0x80: {  	_ =	shalt  }
0x81: {  	_ =	shalt  }
0x82: {  	_ =	shalt  }
0x83: {  	_ =	shalt  }
0x84: {  	_ =	shalt  }
0x85: {  	_ =	shalt  }
0x86: {  	_ =	shalt  }
0x87: {  	_ =	shalt  }
.Lfunc_end0:
.L_simem_size_0:
called_computation_lowered:
.L_overlay_start_0:
0x88: {  	s2 =	sld [smem:$0x3FD9]  }
0x89: {  	s3 =	sld [smem:$0x3FFE];
	_ =	sdelay $0x1  }
0x8a: {  	s1 =	srdreg.scid  }
0x8b: {  	s0 =	sand.u32 $0x1, s1  }
0x8c: {  	s17 =	sshll.u32 s0, $0xA;
	s2 =	sadd.s32 s3, s2  }
0x8d: {  	s2 =	sadd.s32 s2, s17  }
0x8e: {  	[smem:$0x3FBF] =	sst s2  }
0x8f: {  	_ = 	snop  }
0x90: {  	s2 =	sld [smem:$0x3FD0];
	(tm) =	ssettm $0x1  }
0x91: {  	s18 =	sld [smem:$0x3FFB];
	_ =	sdelay $0x3  }
0x92: {  	_ =	strace s18  }
0x93: {  	s3 =	sld [smem:$0x3FFC];
	_ =	sdelay $0x3  }
0x94: {  	_ =	strace s3  }
0x95: {  	s3 =	sld [smem:$0x3FFD];
	_ =	sdelay $0x3  }
0x96: {  	_ =	strace s3  }
0x97: {  	_ =	strace $0x8FFFFFFF  }
0x98: {  	s19 =	sld [smem:$0x3FDB];
	_ =	sdelay $0x1  }
0x99: {  	s4 =	simm.s32 $_scs_section_size  }
0x9a: {  	s5 =	simm.s32 $_size__tile_overlayer_lowered;
	s6 =	simm.s32 $_tile_overlayer_lowered  }
0x9b: {  	s22 =	simm.s32 $0x1BFF;
	s21 =	sshll.u32 s6, $0x1;
	s3 =	sadd.s32 s4, s19  }
0x9c: {  	s7 =	simm.s32 $0x0;
	s20 =	sshll.u32 s5, $0x1;
	s5 =	sadd.s32 s21, s3  }
0x9d: {  	[timem:s7], [sflag:s22] =	dma.local [hbm:s5], s20  }
0x9e: {  	_ =	swait.ge [sflag:s22], s20  }
0x9f: {  	s4 =	ssub.s32 $0x0, s20;
	[sflag:s22] =	ssyncset.done $0x0  }
0xa0: {  	[sflag:s22] =	ssyncadd.s32 s4;
	_ =	sdelay $0x1  }
0xa1: {  	s23 =	simm.s32 $0x1B8B  }
0xa2: {  	_ =	swait.ge [sflag:s23], $0x1  }
0xa3: {  	[sflag:s23] =	ssyncset.done $0x0  }
0xa4: {  	s25 =	simm.s32 $0x1B8E;
	s24 =	sld [smem:$0x3FFE];
	[sflag:s23] =	ssyncadd.s32 $0xFFFFFFFF  }
0xa5: {  	s26 =	simm.s32 $execute0_lowered;
	[smem:$0x3FD2] =	sst s25  }
0xa6: {  	s5 =	sshll.u32 s26, $0x1;
	_ =	strace $0x80000046;
	[dreg:$0x1] =	wrdreg $0xFFFFFFFF  }
0xa7: {  	s28 =	simm.s32 $_size_execute0_lowered;
	s3 =	sadd.s32 s3, s5;
	[dreg:$0x0] =	wrdreg $0x0  }
0xa8: {  	s5 =	sshll.u32 s28, $0x1;
	[dreg:$0x2] =	wrdreg s3  }
0xa9: {  	[dreg:$0x3] =	wrdreg s5  }
0xaa: {  	[dreg:$0x4] =	wrdreg $0xC0  }
0xab: {  	_ =	task [dreg:s7], $0x5FFFF  }
0xac: {  	[dreg:$0x1] =	wrdreg $0xFFFFFFFF  }
0xad: {  	[dreg:$0x0] =	wrdreg $0x60  }
0xae: {  	[dreg:$0x2] =	wrdreg s24  }
0xaf: {  	[dreg:$0x3] =	wrdreg s2  }
0xb0: {  	[dreg:$0x4] =	wrdreg $0x9  }
0xb1: {  	_ =	task.clear_ibuf [dreg:s7], $0x5FFFF;
	_ =	strace $0x90000046  }
0xb2: {  	s29 =	simm.s32 $0x9;
	_ =	strace $0x80000048  }
0xb3: {  	_ =	swait.ge [sflag:s29], $0x1  }
0xb4: {  	[sflag:s29] =	ssyncadd.s32 $0xFFFFFFFF  }
0xb5: {  	_ =	strace $0x90000048  }
0xb6: {  	_ =	sfence  }
0xb7: {  	s30 =	sld [smem:$0x0];
	_ =	sdelay $0x2  }
0xb8: {  	s31 =	sshll.u32 s1, $0xD;
	s1 =	sshrl.u32 s1, $0x2  }
0xb9: {  	s3 =	sand.u32 $0x4000, s31;
	s1 =	sadd.s32 s1, s30  }
0xba: {  	s0 =	sor.u32 s3, s0;
	s1 =	sshll.u32 s1, $0x11  }
0xbb: {  	s0 =	sor.u32 s1, s0  }
0xbc: {  	s0 =	sadd.s32 $0x8F2B, s0  }
0xbd: {  	[sflag:s0] =	ssyncadd.remote.s32 $0x1  }
0xbe: {  	_ =	sfence.sel $0xFFFF  }
0xbf: {  	[dreg:$0x0] =	wrdreg $0xFFFFFFFF;
	(pc) =	sbr.abs _section_cstart, $3  }
0xc0: {  	[dreg:$0x1] =	wrdreg $0xFFFFFFFF  }
0xc1: {  	_ =	task.clear_ibuf [dreg:s7], $0x2FFFF;
	_ =	strace $0x9FFFFFFF  }
0xc2: {  	(tm) =	ssettm $0x7FFFFFFF  }
0xc3: {  	_ =	shalt  }
tec
execute0_lowered:
.L_overlay_start_1:
0x0: {  	(tag) =	ssettag $0x1  }
0x1: {  	s3 =	rddreg [dreg:$0x0]  }
0x2: {  	s4 =	rddreg [dreg:$0x1]  }
0x3: {  	s0 =	rddreg [dreg:$0x2];
	s5 =	srdreg.scid  }
0x4: {  	s1 =	stileid.u32;
	s2 =	simm.s32 $0x0;
	s9 =	simm.s32 $0x100  }
0x5: {  	s10 =	simm.s32 $0x0;
	s5 =	sand.u32 $0x1, s5;
	s6 =	sshll.u32 s1, $0x1  }
0x6: {  	[smem:$0x7FF] =	sst s2;
	s6 =	sor.u32 s5, s6;
	s5 =	ssub.s32 $0x2, s5  }
0x7: {  	_ =	strace $0x80000047;
	s7 =	sshll.u32 s6, $0x3;
	s31 =	sshrl.u32 s5, $0x1  }
0x8: {  	s6 =	sshll.u32 s6, $0x4;
	s7 =	sadd.s32 s7, s3;
	s8 =	ssub.s32 s5, s31  }
0x9: {  	s4 =	sadd.s32 s4, s6;
	s3 =	sadd.s32 $0x33000, s7;
	s5 =	sadd.s32 $0x33200, s7  }
0xa: {  	v0 =	vimm.s32 $0x0;
	s6 =	smax.u32 s8, $0x1;
	s7 =	simm.s32 $0x1;
	s8 =	simm.s32 $0x80  }
.LBB2_1:
0xb: {  	[tilespmem:s2], [sflag:$0x1] =	stream.linear.gather [hbm4b:s3+s2], $0x40, $0x38;
	[tilespmem:$0x180] =	vst v63  }
0xc: {  	_ =	swait.ge [sflag:s7], $0x40  }
0xd: {  	[sflag:s7] =	ssyncset.done $0x0  }
0xe: {  	v1 =	vmov s2;
	[sflag:s7] =	ssyncadd.s32 $0xFFFFFFC0  }
0xf: {  	[tilespmem:$0x80] =	vst v0  }
0x10: {  	[tilespmem:$0x90] =	vst v0  }
0x11: {  	[tilespmem:$0xA0] =	vst v0  }
0x12: {  	[tilespmem:$0xB0] =	vst v0  }
0x13: {  	v2 =	vld.idx.msk [tilespmem:v1+s2+$0x0], $0xffff;
	_ =	sdelay $0x7  }
0x14: {  	v4 =	vld.idx.msk [tilespmem:v2+s8+$0x0], $0xffff  }
0x15: {  	s11 =	simm.s32 $0x1  }
0x16: {  	v3 =	vmov s11;
	s11 =	simm.s32 $0x2  }
.LBB2_2:
0x17: {  	p0 =	sne.s32 s11, $0x3F;
	_ =	sdelay $0x1  }
0x18: {  	[tilespmem:v1+s9+$0x0] =	vst.idx.msk $0x1, v4;
	v4 =	vadd.s32 $0x1, v4;
	v1 =	vmov v3  }
0x19: {  	[tilespmem:v2+s8+$0x0] =	vst.idx.msk $0x1, v4  }
0x1a: {  	v2 =	vld.idx.msk [tilespmem:v3+s2+$0x0], $0xffff;
	_ =	sdelay $0x6  }
.Ltmp0:
0x1b: {  	(pc) =	sbr.rel @p0 .LBB2_2-.Ltmp0, $2  }
0x1c: {  	v4 =	vld.idx.msk [tilespmem:v2+s8+$0x0], $0xffff;
	_ =	sdelay $0x2  }
0x1d: {  	v3 =	vmov s11;
	s11 =	sadd.s32 $0x1, s11  }
0x1e: {  	_ =	sdelay $0x3  }
0x1f: {  	[tilespmem:v1+s9+$0x0] =	vst.idx.msk $0x1, v4;
	v1 =	vadd.s32 $0x1, v4  }
0x20: {  	[tilespmem:v2+s8+$0x0] =	vst.idx.msk $0x1, v1  }
0x21: {  	v1 =	vld.idx.msk [tilespmem:v3+s2+$0x0], $0xffff;
	_ =	sdelay $0x7  }
0x22: {  	v2 =	vld.idx.msk [tilespmem:v1+s8+$0x0], $0xffff;
	_ =	sdelay $0x4  }
0x23: {  	[tilespmem:v3+s9+$0x0] =	vst.idx.msk $0x1, v2;
	v2 =	vadd.s32 $0x1, v2  }
0x24: {  	[tilespmem:v1+s8+$0x0] =	vst.idx.msk $0x1, v2  }
0x25: {  	[hbm4b:s4+s2] =	stream.linear.scatter [tilespmem:s8], [sflag:$0x1], $0x80, $0x38;
	[tilespmem:$0x180] =	vst v63  }
0x26: {  	s10 =	sadd.s32 $0x1, s10;
	_ =	swait.ge [sflag:s7], $0x80  }
0x27: {  	p0 =	sne.s32 s10, s6;
	[sflag:s7] =	ssyncset.done $0x0  }
.Ltmp1:
0x28: {  	[sflag:s7] =	ssyncadd.s32 $0xFFFFFF80;
	(pc) =	sbr.rel @p0 .LBB2_1-.Ltmp1, $4  }
0x29: {  	[hbm4b:s5+s2] =	stream.linear.scatter [tilespmem:s9], [sflag:$0x1], $0x40, $0x38;
	[tilespmem:$0x180] =	vst v63  }
0x2a: {  	_ =	swait.ge [sflag:s7], $0x40  }
0x2b: {  	[sflag:s7] =	ssyncset.done $0x0  }
0x2c: {  	[sflag:s7] =	ssyncadd.s32 $0xFFFFFFC0  }
0x2d: {  	_ =	sfence.sel $0x180000  }
0x2e: {  	[bflag:$0x0] =	sbarrier.arrive $0xFFFF  }
0x2f: {  	p0 =	sne.s32 s1, $0x0;
	_ =	strace $0x90000047  }
0x30: {  	s0 =	sadd.s32 @!p0 $0x100000, s0;
	[bflag:$0x2] =	sbarrier.arrive $0xFFFF  }
0x31: {  	[sflag:s0] =	ssyncadd.tile.s32 @!p0 $0x1;
	_ =	shalt  }
.Lfunc_end2:
_tile_overlayer_lowered:
.L_overlay_start_2:
0x32: {  	(tag) =	ssettag $0x2  }
0x33: {  	s0 =	rddreg [dreg:$0x0];
	s2 =	stileid.u32  }
0x34: {  	s1 =	rddreg [dreg:$0x1];
	p0 =	sne.s32 s2, $0x0  }
0x35: {  	s3 =	rddreg [dreg:$0x2];
	[bflag:$0x3] =	sbarrier.arrive $0xFFFF;
	s2 =	simm.s32 @!p0 $0x1C01  }
0x36: {  	[timem:s3], [sflag:s2] =	dma.local @!p0 [hbm:s0], s1  }
0x37: {  	s0 =	simm.s32 @!p0 $0x1  }
0x38: {  	_ =	swait.ge @!p0 [sflag:s0], s1  }
0x39: {  	s1 =	ssub.s32 @!p0 $0x0, s1;
	[sflag:s0] =	ssyncset.done @!p0 $0x0  }
0x3a: {  	[sflag:s0] =	ssyncadd.s32 @!p0 s1  }
0x3b: {  	[bflag:$0x3] =	sbarrier.arrive $0xFFFF  }
0x3c: {  	_ =	shalt  }

</sc_bundles>
